<compile_context>
chip_gen: v7x
topology: tpu7x:2x2x1
jax: 0.10.2.dev20260603
libtpu: 0.0.44.dev20260713+nightly
codegen_flags: <defaults>
</compile_context>

<pallas_src>
import functools

import jax
import jax.numpy as jnp
from jax.experimental import pallas as pl
from jax.experimental.pallas import tpu as pltpu
from jax.experimental.pallas import tpu_sc as plsc

_NUM_EMBEDDINGS = 1024
_EMBEDDING_DIM = 64
_COMMITMENT_COST = 0.25


def _vq_block_kernel(zr_ref, w_ref, wm2_ref, zsq_ref, wsq_ref,
                     zq_ref, loss_ref, idx_ref, acc_ref, *, n_tokens, t_blk):
    i = pl.program_id(0)
    n_steps = pl.num_programs(0)

    @pl.when(i == 0)
    def _init():
        acc_ref[0, 0] = jnp.float32(0.0)

    zr = zr_ref[0]
    w = w_ref[...]
    wm2 = wm2_ref[...]

    m2 = jax.lax.dot_general(wm2, zr, (((1,), (0,)), ((), ())),
                             preferred_element_type=jnp.float32)
    d = (zsq_ref[0] + m2) + wsq_ref[...]

    mind = jnp.min(d, axis=0, keepdims=True)
    iota = jax.lax.broadcasted_iota(jnp.int32, (_NUM_EMBEDDINGS, t_blk), 0)
    idx = jnp.min(jnp.where(d == mind, iota, _NUM_EMBEDDINGS),
                  axis=0).astype(jnp.int32)
    idx_ref[0, 0] = idx

    oh = (iota == idx[None, :]).astype(jnp.float32)
    zq_t = jax.lax.dot_general(w, oh, (((0,), (0,)), ((), ())),
                               preferred_element_type=jnp.float32)
    zq_ref[0] = zr + (zq_t - zr)

    acc_ref[0, 0] += jnp.sum(mind[0])

    @pl.when(i == n_steps - 1)
    def _finish():
        loss_ref[0, 0] = acc_ref[0, 0]


def _sc_presence(idx_flat, n_tokens):
    info = plsc.get_sparse_core_info()
    nc, ns, lanes = info.num_cores, info.num_subcores, info.num_lanes
    nw = nc * ns
    per_w = n_tokens // nw
    mesh = plsc.VectorSubcoreMesh(core_axis_name="c", subcore_axis_name="s")

    def body(idx_hbm, out_hbm, idx_v, pres_v):
        wid = jax.lax.axis_index("s") * nc + jax.lax.axis_index("c")
        base = wid * per_w
        pltpu.sync_copy(idx_hbm.at[pl.ds(base, per_w)], idx_v)
        zeros = jnp.zeros((lanes,), jnp.float32)
        ones = jnp.ones((lanes,), jnp.float32)
        for j in range(_NUM_EMBEDDINGS // lanes):
            pres_v[pl.ds(j * lanes, lanes)] = zeros
        for j in range(per_w // lanes):
            iv = idx_v[pl.ds(j * lanes, lanes)]
            plsc.store_scatter(pres_v, [iv], ones)
        pltpu.sync_copy(pres_v, out_hbm.at[wid])

    return pl.kernel(
        body,
        mesh=mesh,
        compiler_params=pltpu.CompilerParams(needs_layout_passes=False),
        out_type=jax.ShapeDtypeStruct((nw, _NUM_EMBEDDINGS), jnp.float32),
        scratch_types=[
            pltpu.VMEM((per_w,), jnp.int32),
            pltpu.VMEM((_NUM_EMBEDDINGS,), jnp.float32),
        ],
    )(idx_flat)


def _vq_chunk(z_raw, W, wm2, zsq, wsq, t_blk):
    b, c, spatial = z_raw.shape
    n_tok = b * spatial
    bb = spatial // t_blk
    grid = (n_tok // t_blk,)
    return pl.pallas_call(
        functools.partial(_vq_block_kernel, n_tokens=n_tok, t_blk=t_blk),
        grid=grid,
        in_specs=[
            pl.BlockSpec((1, c, t_blk), lambda i: (i // bb, 0, i % bb)),
            pl.BlockSpec((_NUM_EMBEDDINGS, c), lambda i: (0, 0)),
            pl.BlockSpec((_NUM_EMBEDDINGS, c), lambda i: (0, 0)),
            pl.BlockSpec((1, 1, t_blk), lambda i: (i, 0, 0)),
            pl.BlockSpec((_NUM_EMBEDDINGS, 1), lambda i: (0, 0)),
        ],
        out_specs=[
            pl.BlockSpec((1, c, t_blk), lambda i: (i // bb, 0, i % bb)),
            pl.BlockSpec((1, 1), lambda i: (0, 0), memory_space=pltpu.SMEM),
            pl.BlockSpec((1, 1, t_blk), lambda i: (i, 0, 0)),
        ],
        out_shape=[
            jax.ShapeDtypeStruct((b, c, spatial), jnp.float32),
            jax.ShapeDtypeStruct((1, 1), jnp.float32),
            jax.ShapeDtypeStruct((n_tok // t_blk, 1, t_blk), jnp.int32),
        ],
        scratch_shapes=[
            pltpu.SMEM((1, 1), jnp.float32),
        ],
    )(z_raw, W, wm2, zsq, wsq)


@jax.jit
def kernel(z, W):
    b, c, dd, hh, ww = z.shape
    n_tokens = b * dd * hh * ww
    spatial = dd * hh * ww
    t_blk = 1024
    bb = spatial // t_blk
    z_raw = z.reshape(b, c, spatial)
    zsq = jnp.sum(z_raw ** 2, axis=1).reshape(b * bb, 1, t_blk)
    wsq = jnp.sum(W ** 2, axis=1).reshape(_NUM_EMBEDDINGS, 1)
    wm2 = -2.0 * W

    zq_raw, s, idx_blocks = _vq_chunk(z_raw, W, wm2, zsq, wsq, t_blk)
    pres = _sc_presence(idx_blocks.reshape(n_tokens), n_tokens)

    mean = s[0, 0] / jnp.float32(n_tokens * _EMBEDDING_DIM)
    loss = mean + jnp.float32(_COMMITMENT_COST) * mean
    uniq = jnp.sum(jnp.any(pres > 0.0, axis=0))

    return (zq_raw.reshape(b, c, dd, hh, ww), loss, uniq)

# --- scband reference (transcript-rebuilt; emitter-appended) ---
"""Pipeline reference for scband-vector-quantizer-53008486367576 (READ-ONLY COPY).

The authoritative reference and input builder live on the scoring server;
editing this copy changes nothing except your own understanding.
"""

import jax, jax.numpy as jnp
import numpy as np

NUM_EMBEDDINGS = 1024
EMBEDDING_DIM = 64
COMMITMENT_COST = 0.25


def setup_inputs(seed: int = 0) -> dict:
    key = jax.random.key(seed)
    k1, k2 = jax.random.split(key)
    z = jax.random.normal(k1, (4, 64, 8, 32, 32), dtype=jnp.float32)
    W = jax.random.uniform(k2, (NUM_EMBEDDINGS, EMBEDDING_DIM), dtype=jnp.float32,
                           minval=-1.0 / NUM_EMBEDDINGS, maxval=1.0 / NUM_EMBEDDINGS)
    return {"z": z, "W": W}


def reference(z, W):
    # z: [B, C, D, H, W] with C == embedding_dim
    z_perm = jnp.transpose(z, (0, 2, 3, 4, 1))
    flat_z = z_perm.reshape(-1, EMBEDDING_DIM)
    distances = (jnp.sum(flat_z ** 2, axis=1, keepdims=True)
                 - 2.0 * flat_z @ W.T
                 + jnp.sum(W ** 2, axis=1))
    encoding_indices = jnp.argmin(distances, axis=1)
    unique_codes = jnp.sum(jnp.bincount(encoding_indices, length=NUM_EMBEDDINGS) > 0)
    z_q = jnp.take(W, encoding_indices, axis=0).reshape(z_perm.shape)
    commitment_loss = jnp.mean((jax.lax.stop_gradient(z_q) - z_perm) ** 2)
    codebook_loss = jnp.mean((z_q - jax.lax.stop_gradient(z_perm)) ** 2)
    vq_loss = codebook_loss + COMMITMENT_COST * commitment_loss
    z_q = z_perm + jax.lax.stop_gradient(z_q - z_perm)
    z_q = jnp.transpose(z_q, (0, 4, 1, 2, 3))
    return (z_q, vq_loss, unique_codes)

if __name__ == "__main__":
    import jax
    _d = setup_inputs()
    print(jax.jit(kernel)(*tuple(_d.values())))

</pallas_src>

<mosaic_0001>
#map = affine_map<(d0, d1) -> (0)>
#map1 = affine_map<(d0, d1) -> (0, 0)>
module attributes {stable_mosaic.version = 14 : i64} {
  func.func @body(%arg0: i32, %arg1: i32, %arg2: memref<32768xi32, #tpu.memory_space<hbm>>, %arg3: memref<32x1024xf32, #tpu.memory_space<hbm>>, %arg4: memref<1024xi32, #tpu.memory_space<vmem>>, %arg5: memref<1024xf32, #tpu.memory_space<vmem>>) attributes {dimension_semantics = [#tpu.dimension_semantics<core_parallel>, #tpu.dimension_semantics<subcore_parallel>], iteration_bounds = array<i64: 2, 16>, scalar_prefetch = 0 : i64, scratch_operands = 2 : i64, tpu.core_type = #tpu.core_type<sc_vector_subcore>, window_params = [{transform_indices = #map}, {transform_indices = #map1}]} {
    %mul3A = arith.constant 2 : i32
    %mul3A_0 = arith.muli %arg1, %mul3A : i32
    %add3A = arith.addi %mul3A_0, %arg0 : i32
    %mul3A_1 = arith.constant 1024 : i32
    %mul3A_2 = arith.muli %add3A, %mul3A_1 : i32
    "tpu.region"() ({
      %run_scoped3A = tpu.sem_alloc : memref<!tpu.dma_semaphore, #tpu.memory_space<semaphore_mem>>
      %dma_start3A = tpu.memref_slice %arg2[%mul3A_2] : memref<32768xi32, #tpu.memory_space<hbm>> -> memref<1024xi32, #tpu.memory_space<hbm>>
      %dma_start3A_260 = tpu.memref_slice %arg2[%mul3A_2] : memref<32768xi32, #tpu.memory_space<hbm>> -> memref<1024xi32, #tpu.memory_space<hbm>>
      tpu.enqueue_dma source(%dma_start3A_260 : memref<1024xi32, #tpu.memory_space<hbm>>) target(%arg4 : memref<1024xi32, #tpu.memory_space<vmem>>) target_semaphore(%run_scoped3A : memref<!tpu.dma_semaphore, #tpu.memory_space<semaphore_mem>>)
      %dma_wait3A = tpu.memref_slice %arg2[%mul3A_2] : memref<32768xi32, #tpu.memory_space<hbm>> -> memref<1024xi32, #tpu.memory_space<hbm>>
      %dma_wait3A_261 = tpu.memref_slice %arg2[%mul3A_2] : memref<32768xi32, #tpu.memory_space<hbm>> -> memref<1024xi32, #tpu.memory_space<hbm>>
      tpu.wait_dma2 semaphore(%run_scoped3A : memref<!tpu.dma_semaphore, #tpu.memory_space<semaphore_mem>>) src(%dma_wait3A_261 : memref<1024xi32, #tpu.memory_space<hbm>>) dst(%arg4 : memref<1024xi32, #tpu.memory_space<vmem>>)
      tpu.yield
    }) : () -> ()
    %broadcast_in_dim3A = arith.constant 0.000000e+00 : f32
    %broadcast_in_dim3A_3 = vector.broadcast %broadcast_in_dim3A : f32 to vector<16xf32>
    %broadcast_in_dim3A_4 = arith.constant 1.000000e+00 : f32
    %broadcast_in_dim3A_5 = vector.broadcast %broadcast_in_dim3A_4 : f32 to vector<16xf32>
    %swap3A = arith.constant 0 : index
    %swap3A_6 = tpu.vector_load %arg5[%swap3A] {strides = array<i32>} : memref<1024xf32, #tpu.memory_space<vmem>>, vector<16xf32>,
    tpu.vector_store %arg5[%swap3A], %broadcast_in_dim3A_3 {strides = array<i32>} : memref<1024xf32, #tpu.memory_space<vmem>>, vector<16xf32>,
    %swap3A_7 = arith.constant 16 : index
    %swap3A_8 = tpu.vector_load %arg5[%swap3A_7] {strides = array<i32>} : memref<1024xf32, #tpu.memory_space<vmem>>, vector<16xf32>,
    tpu.vector_store %arg5[%swap3A_7], %broadcast_in_dim3A_3 {strides = array<i32>} : memref<1024xf32, #tpu.memory_space<vmem>>, vector<16xf32>,
    %swap3A_9 = arith.constant 32 : index
    %swap3A_10 = tpu.vector_load %arg5[%swap3A_9] {strides = array<i32>} : memref<1024xf32, #tpu.memory_space<vmem>>, vector<16xf32>,
    tpu.vector_store %arg5[%swap3A_9], %broadcast_in_dim3A_3 {strides = array<i32>} : memref<1024xf32, #tpu.memory_space<vmem>>, vector<16xf32>,
    %swap3A_11 = arith.constant 48 : index
    %swap3A_12 = tpu.vector_load %arg5[%swap3A_11] {strides = array<i32>} : memref<1024xf32, #tpu.memory_space<vmem>>, vector<16xf32>,
    tpu.vector_store %arg5[%swap3A_11], %broadcast_in_dim3A_3 {strides = array<i32>} : memref<1024xf32, #tpu.memory_space<vmem>>, vector<16xf32>,
    %swap3A_13 = arith.constant 64 : index
    %swap3A_14 = tpu.vector_load %arg5[%swap3A_13] {strides = array<i32>} : memref<1024xf32, #tpu.memory_space<vmem>>, vector<16xf32>,
    tpu.vector_store %arg5[%swap3A_13], %broadcast_in_dim3A_3 {strides = array<i32>} : memref<1024xf32, #tpu.memory_space<vmem>>, vector<16xf32>,
    %swap3A_15 = arith.constant 80 : index
    %swap3A_16 = tpu.vector_load %arg5[%swap3A_15] {strides = array<i32>} : memref<1024xf32, #tpu.memory_space<vmem>>, vector<16xf32>,
    tpu.vector_store %arg5[%swap3A_15], %broadcast_in_dim3A_3 {strides = array<i32>} : memref<1024xf32, #tpu.memory_space<vmem>>, vector<16xf32>,
    %swap3A_17 = arith.constant 96 : index
    %swap3A_18 = tpu.vector_load %arg5[%swap3A_17] {strides = array<i32>} : memref<1024xf32, #tpu.memory_space<vmem>>, vector<16xf32>,
    tpu.vector_store %arg5[%swap3A_17], %broadcast_in_dim3A_3 {strides = array<i32>} : memref<1024xf32, #tpu.memory_space<vmem>>, vector<16xf32>,
    %swap3A_19 = arith.constant 112 : index
    %swap3A_20 = tpu.vector_load %arg5[%swap3A_19] {strides = array<i32>} : memref<1024xf32, #tpu.memory_space<vmem>>, vector<16xf32>,
    tpu.vector_store %arg5[%swap3A_19], %broadcast_in_dim3A_3 {strides = array<i32>} : memref<1024xf32, #tpu.memory_space<vmem>>, vector<16xf32>,
    %swap3A_21 = arith.constant 128 : index
    %swap3A_22 = tpu.vector_load %arg5[%swap3A_21] {strides = array<i32>} : memref<1024xf32, #tpu.memory_space<vmem>>, vector<16xf32>,
    tpu.vector_store %arg5[%swap3A_21], %broadcast_in_dim3A_3 {strides = array<i32>} : memref<1024xf32, #tpu.memory_space<vmem>>, vector<16xf32>,
    %swap3A_23 = arith.constant 144 : index
    %swap3A_24 = tpu.vector_load %arg5[%swap3A_23] {strides = array<i32>} : memref<1024xf32, #tpu.memory_space<vmem>>, vector<16xf32>,
    tpu.vector_store %arg5[%swap3A_23], %broadcast_in_dim3A_3 {strides = array<i32>} : memref<1024xf32, #tpu.memory_space<vmem>>, vector<16xf32>,
    %swap3A_25 = arith.constant 160 : index
    %swap3A_26 = tpu.vector_load %arg5[%swap3A_25] {strides = array<i32>} : memref<1024xf32, #tpu.memory_space<vmem>>, vector<16xf32>,
    tpu.vector_store %arg5[%swap3A_25], %broadcast_in_dim3A_3 {strides = array<i32>} : memref<1024xf32, #tpu.memory_space<vmem>>, vector<16xf32>,
    %swap3A_27 = arith.constant 176 : index
    %swap3A_28 = tpu.vector_load %arg5[%swap3A_27] {strides = array<i32>} : memref<1024xf32, #tpu.memory_space<vmem>>, vector<16xf32>,
    tpu.vector_store %arg5[%swap3A_27], %broadcast_in_dim3A_3 {strides = array<i32>} : memref<1024xf32, #tpu.memory_space<vmem>>, vector<16xf32>,
    %swap3A_29 = arith.constant 192 : index
    %swap3A_30 = tpu.vector_load %arg5[%swap3A_29] {strides = array<i32>} : memref<1024xf32, #tpu.memory_space<vmem>>, vector<16xf32>,
    tpu.vector_store %arg5[%swap3A_29], %broadcast_in_dim3A_3 {strides = array<i32>} : memref<1024xf32, #tpu.memory_space<vmem>>, vector<16xf32>,
    %swap3A_31 = arith.constant 208 : index
    %swap3A_32 = tpu.vector_load %arg5[%swap3A_31] {strides = array<i32>} : memref<1024xf32, #tpu.memory_space<vmem>>, vector<16xf32>,
    tpu.vector_store %arg5[%swap3A_31], %broadcast_in_dim3A_3 {strides = array<i32>} : memref<1024xf32, #tpu.memory_space<vmem>>, vector<16xf32>,
    %swap3A_33 = arith.constant 224 : index
    %swap3A_34 = tpu.vector_load %arg5[%swap3A_33] {strides = array<i32>} : memref<1024xf32, #tpu.memory_space<vmem>>, vector<16xf32>,
    tpu.vector_store %arg5[%swap3A_33], %broadcast_in_dim3A_3 {strides = array<i32>} : memref<1024xf32, #tpu.memory_space<vmem>>, vector<16xf32>,
    %swap3A_35 = arith.constant 240 : index
    %swap3A_36 = tpu.vector_load %arg5[%swap3A_35] {strides = array<i32>} : memref<1024xf32, #tpu.memory_space<vmem>>, vector<16xf32>,
    tpu.vector_store %arg5[%swap3A_35], %broadcast_in_dim3A_3 {strides = array<i32>} : memref<1024xf32, #tpu.memory_space<vmem>>, vector<16xf32>,
    %swap3A_37 = arith.constant 256 : index
    %swap3A_38 = tpu.vector_load %arg5[%swap3A_37] {strides = array<i32>} : memref<1024xf32, #tpu.memory_space<vmem>>, vector<16xf32>,
    tpu.vector_store %arg5[%swap3A_37], %broadcast_in_dim3A_3 {strides = array<i32>} : memref<1024xf32, #tpu.memory_space<vmem>>, vector<16xf32>,
    %swap3A_39 = arith.constant 272 : index
    %swap3A_40 = tpu.vector_load %arg5[%swap3A_39] {strides = array<i32>} : memref<1024xf32, #tpu.memory_space<vmem>>, vector<16xf32>,
    tpu.vector_store %arg5[%swap3A_39], %broadcast_in_dim3A_3 {strides = array<i32>} : memref<1024xf32, #tpu.memory_space<vmem>>, vector<16xf32>,
    %swap3A_41 = arith.constant 288 : index
    %swap3A_42 = tpu.vector_load %arg5[%swap3A_41] {strides = array<i32>} : memref<1024xf32, #tpu.memory_space<vmem>>, vector<16xf32>,
    tpu.vector_store %arg5[%swap3A_41], %broadcast_in_dim3A_3 {strides = array<i32>} : memref<1024xf32, #tpu.memory_space<vmem>>, vector<16xf32>,
    %swap3A_43 = arith.constant 304 : index
    %swap3A_44 = tpu.vector_load %arg5[%swap3A_43] {strides = array<i32>} : memref<1024xf32, #tpu.memory_space<vmem>>, vector<16xf32>,
    tpu.vector_store %arg5[%swap3A_43], %broadcast_in_dim3A_3 {strides = array<i32>} : memref<1024xf32, #tpu.memory_space<vmem>>, vector<16xf32>,
    %swap3A_45 = arith.constant 320 : index
    %swap3A_46 = tpu.vector_load %arg5[%swap3A_45] {strides = array<i32>} : memref<1024xf32, #tpu.memory_space<vmem>>, vector<16xf32>,
    tpu.vector_store %arg5[%swap3A_45], %broadcast_in_dim3A_3 {strides = array<i32>} : memref<1024xf32, #tpu.memory_space<vmem>>, vector<16xf32>,
    %swap3A_47 = arith.constant 336 : index
    %swap3A_48 = tpu.vector_load %arg5[%swap3A_47] {strides = array<i32>} : memref<1024xf32, #tpu.memory_space<vmem>>, vector<16xf32>,
    tpu.vector_store %arg5[%swap3A_47], %broadcast_in_dim3A_3 {strides = array<i32>} : memref<1024xf32, #tpu.memory_space<vmem>>, vector<16xf32>,
    %swap3A_49 = arith.constant 352 : index
    %swap3A_50 = tpu.vector_load %arg5[%swap3A_49] {strides = array<i32>} : memref<1024xf32, #tpu.memory_space<vmem>>, vector<16xf32>,
    tpu.vector_store %arg5[%swap3A_49], %broadcast_in_dim3A_3 {strides = array<i32>} : memref<1024xf32, #tpu.memory_space<vmem>>, vector<16xf32>,
    %swap3A_51 = arith.constant 368 : index
    %swap3A_52 = tpu.vector_load %arg5[%swap3A_51] {strides = array<i32>} : memref<1024xf32, #tpu.memory_space<vmem>>, vector<16xf32>,
    tpu.vector_store %arg5[%swap3A_51], %broadcast_in_dim3A_3 {strides = array<i32>} : memref<1024xf32, #tpu.memory_space<vmem>>, vector<16xf32>,
    %swap3A_53 = arith.constant 384 : index
    %swap3A_54 = tpu.vector_load %arg5[%swap3A_53] {strides = array<i32>} : memref<1024xf32, #tpu.memory_space<vmem>>, vector<16xf32>,
    tpu.vector_store %arg5[%swap3A_53], %broadcast_in_dim3A_3 {strides = array<i32>} : memref<1024xf32, #tpu.memory_space<vmem>>, vector<16xf32>,
    %swap3A_55 = arith.constant 400 : index
    %swap3A_56 = tpu.vector_load %arg5[%swap3A_55] {strides = array<i32>} : memref<1024xf32, #tpu.memory_space<vmem>>, vector<16xf32>,
    tpu.vector_store %arg5[%swap3A_55], %broadcast_in_dim3A_3 {strides = array<i32>} : memref<1024xf32, #tpu.memory_space<vmem>>, vector<16xf32>,
    %swap3A_57 = arith.constant 416 : index
    %swap3A_58 = tpu.vector_load %arg5[%swap3A_57] {strides = array<i32>} : memref<1024xf32, #tpu.memory_space<vmem>>, vector<16xf32>,
    tpu.vector_store %arg5[%swap3A_57], %broadcast_in_dim3A_3 {strides = array<i32>} : memref<1024xf32, #tpu.memory_space<vmem>>, vector<16xf32>,
    %swap3A_59 = arith.constant 432 : index
    %swap3A_60 = tpu.vector_load %arg5[%swap3A_59] {strides = array<i32>} : memref<1024xf32, #tpu.memory_space<vmem>>, vector<16xf32>,
    tpu.vector_store %arg5[%swap3A_59], %broadcast_in_dim3A_3 {strides = array<i32>} : memref<1024xf32, #tpu.memory_space<vmem>>, vector<16xf32>,
    %swap3A_61 = arith.constant 448 : index
    %swap3A_62 = tpu.vector_load %arg5[%swap3A_61] {strides = array<i32>} : memref<1024xf32, #tpu.memory_space<vmem>>, vector<16xf32>,
    tpu.vector_store %arg5[%swap3A_61], %broadcast_in_dim3A_3 {strides = array<i32>} : memref<1024xf32, #tpu.memory_space<vmem>>, vector<16xf32>,
    %swap3A_63 = arith.constant 464 : index
    %swap3A_64 = tpu.vector_load %arg5[%swap3A_63] {strides = array<i32>} : memref<1024xf32, #tpu.memory_space<vmem>>, vector<16xf32>,
    tpu.vector_store %arg5[%swap3A_63], %broadcast_in_dim3A_3 {strides = array<i32>} : memref<1024xf32, #tpu.memory_space<vmem>>, vector<16xf32>,
    %swap3A_65 = arith.constant 480 : index
    %swap3A_66 = tpu.vector_load %arg5[%swap3A_65] {strides = array<i32>} : memref<1024xf32, #tpu.memory_space<vmem>>, vector<16xf32>,
    tpu.vector_store %arg5[%swap3A_65], %broadcast_in_dim3A_3 {strides = array<i32>} : memref<1024xf32, #tpu.memory_space<vmem>>, vector<16xf32>,
    %swap3A_67 = arith.constant 496 : index
    %swap3A_68 = tpu.vector_load %arg5[%swap3A_67] {strides = array<i32>} : memref<1024xf32, #tpu.memory_space<vmem>>, vector<16xf32>,
    tpu.vector_store %arg5[%swap3A_67], %broadcast_in_dim3A_3 {strides = array<i32>} : memref<1024xf32, #tpu.memory_space<vmem>>, vector<16xf32>,
    %swap3A_69 = arith.constant 512 : index
    %swap3A_70 = tpu.vector_load %arg5[%swap3A_69] {strides = array<i32>} : memref<1024xf32, #tpu.memory_space<vmem>>, vector<16xf32>,
    tpu.vector_store %arg5[%swap3A_69], %broadcast_in_dim3A_3 {strides = array<i32>} : memref<1024xf32, #tpu.memory_space<vmem>>, vector<16xf32>,
    %swap3A_71 = arith.constant 528 : index
    %swap3A_72 = tpu.vector_load %arg5[%swap3A_71] {strides = array<i32>} : memref<1024xf32, #tpu.memory_space<vmem>>, vector<16xf32>,
    tpu.vector_store %arg5[%swap3A_71], %broadcast_in_dim3A_3 {strides = array<i32>} : memref<1024xf32, #tpu.memory_space<vmem>>, vector<16xf32>,
    %swap3A_73 = arith.constant 544 : index
    %swap3A_74 = tpu.vector_load %arg5[%swap3A_73] {strides = array<i32>} : memref<1024xf32, #tpu.memory_space<vmem>>, vector<16xf32>,
    tpu.vector_store %arg5[%swap3A_73], %broadcast_in_dim3A_3 {strides = array<i32>} : memref<1024xf32, #tpu.memory_space<vmem>>, vector<16xf32>,
    %swap3A_75 = arith.constant 560 : index
    %swap3A_76 = tpu.vector_load %arg5[%swap3A_75] {strides = array<i32>} : memref<1024xf32, #tpu.memory_space<vmem>>, vector<16xf32>,
    tpu.vector_store %arg5[%swap3A_75], %broadcast_in_dim3A_3 {strides = array<i32>} : memref<1024xf32, #tpu.memory_space<vmem>>, vector<16xf32>,
    %swap3A_77 = arith.constant 576 : index
    %swap3A_78 = tpu.vector_load %arg5[%swap3A_77] {strides = array<i32>} : memref<1024xf32, #tpu.memory_space<vmem>>, vector<16xf32>,
    tpu.vector_store %arg5[%swap3A_77], %broadcast_in_dim3A_3 {strides = array<i32>} : memref<1024xf32, #tpu.memory_space<vmem>>, vector<16xf32>,
    %swap3A_79 = arith.constant 592 : index
    %swap3A_80 = tpu.vector_load %arg5[%swap3A_79] {strides = array<i32>} : memref<1024xf32, #tpu.memory_space<vmem>>, vector<16xf32>,
    tpu.vector_store %arg5[%swap3A_79], %broadcast_in_dim3A_3 {strides = array<i32>} : memref<1024xf32, #tpu.memory_space<vmem>>, vector<16xf32>,
    %swap3A_81 = arith.constant 608 : index
    %swap3A_82 = tpu.vector_load %arg5[%swap3A_81] {strides = array<i32>} : memref<1024xf32, #tpu.memory_space<vmem>>, vector<16xf32>,
    tpu.vector_store %arg5[%swap3A_81], %broadcast_in_dim3A_3 {strides = array<i32>} : memref<1024xf32, #tpu.memory_space<vmem>>, vector<16xf32>,
    %swap3A_83 = arith.constant 624 : index
    %swap3A_84 = tpu.vector_load %arg5[%swap3A_83] {strides = array<i32>} : memref<1024xf32, #tpu.memory_space<vmem>>, vector<16xf32>,
    tpu.vector_store %arg5[%swap3A_83], %broadcast_in_dim3A_3 {strides = array<i32>} : memref<1024xf32, #tpu.memory_space<vmem>>, vector<16xf32>,
    %swap3A_85 = arith.constant 640 : index
    %swap3A_86 = tpu.vector_load %arg5[%swap3A_85] {strides = array<i32>} : memref<1024xf32, #tpu.memory_space<vmem>>, vector<16xf32>,
    tpu.vector_store %arg5[%swap3A_85], %broadcast_in_dim3A_3 {strides = array<i32>} : memref<1024xf32, #tpu.memory_space<vmem>>, vector<16xf32>,
    %swap3A_87 = arith.constant 656 : index
    %swap3A_88 = tpu.vector_load %arg5[%swap3A_87] {strides = array<i32>} : memref<1024xf32, #tpu.memory_space<vmem>>, vector<16xf32>,
    tpu.vector_store %arg5[%swap3A_87], %broadcast_in_dim3A_3 {strides = array<i32>} : memref<1024xf32, #tpu.memory_space<vmem>>, vector<16xf32>,
    %swap3A_89 = arith.constant 672 : index
    %swap3A_90 = tpu.vector_load %arg5[%swap3A_89] {strides = array<i32>} : memref<1024xf32, #tpu.memory_space<vmem>>, vector<16xf32>,
    tpu.vector_store %arg5[%swap3A_89], %broadcast_in_dim3A_3 {strides = array<i32>} : memref<1024xf32, #tpu.memory_space<vmem>>, vector<16xf32>,
    %swap3A_91 = arith.constant 688 : index
    %swap3A_92 = tpu.vector_load %arg5[%swap3A_91] {strides = array<i32>} : memref<1024xf32, #tpu.memory_space<vmem>>, vector<16xf32>,
    tpu.vector_store %arg5[%swap3A_91], %broadcast_in_dim3A_3 {strides = array<i32>} : memref<1024xf32, #tpu.memory_space<vmem>>, vector<16xf32>,
    %swap3A_93 = arith.constant 704 : index
    %swap3A_94 = tpu.vector_load %arg5[%swap3A_93] {strides = array<i32>} : memref<1024xf32, #tpu.memory_space<vmem>>, vector<16xf32>,
    tpu.vector_store %arg5[%swap3A_93], %broadcast_in_dim3A_3 {strides = array<i32>} : memref<1024xf32, #tpu.memory_space<vmem>>, vector<16xf32>,
    %swap3A_95 = arith.constant 720 : index
    %swap3A_96 = tpu.vector_load %arg5[%swap3A_95] {strides = array<i32>} : memref<1024xf32, #tpu.memory_space<vmem>>, vector<16xf32>,
    tpu.vector_store %arg5[%swap3A_95], %broadcast_in_dim3A_3 {strides = array<i32>} : memref<1024xf32, #tpu.memory_space<vmem>>, vector<16xf32>,
    %swap3A_97 = arith.constant 736 : index
    %swap3A_98 = tpu.vector_load %arg5[%swap3A_97] {strides = array<i32>} : memref<1024xf32, #tpu.memory_space<vmem>>, vector<16xf32>,
    tpu.vector_store %arg5[%swap3A_97], %broadcast_in_dim3A_3 {strides = array<i32>} : memref<1024xf32, #tpu.memory_space<vmem>>, vector<16xf32>,
    %swap3A_99 = arith.constant 752 : index
    %swap3A_100 = tpu.vector_load %arg5[%swap3A_99] {strides = array<i32>} : memref<1024xf32, #tpu.memory_space<vmem>>, vector<16xf32>,
    tpu.vector_store %arg5[%swap3A_99], %broadcast_in_dim3A_3 {strides = array<i32>} : memref<1024xf32, #tpu.memory_space<vmem>>, vector<16xf32>,
    %swap3A_101 = arith.constant 768 : index
    %swap3A_102 = tpu.vector_load %arg5[%swap3A_101] {strides = array<i32>} : memref<1024xf32, #tpu.memory_space<vmem>>, vector<16xf32>,
    tpu.vector_store %arg5[%swap3A_101], %broadcast_in_dim3A_3 {strides = array<i32>} : memref<1024xf32, #tpu.memory_space<vmem>>, vector<16xf32>,
    %swap3A_103 = arith.constant 784 : index
    %swap3A_104 = tpu.vector_load %arg5[%swap3A_103] {strides = array<i32>} : memref<1024xf32, #tpu.memory_space<vmem>>, vector<16xf32>,
    tpu.vector_store %arg5[%swap3A_103], %broadcast_in_dim3A_3 {strides = array<i32>} : memref<1024xf32, #tpu.memory_space<vmem>>, vector<16xf32>,
    %swap3A_105 = arith.constant 800 : index
    %swap3A_106 = tpu.vector_load %arg5[%swap3A_105] {strides = array<i32>} : memref<1024xf32, #tpu.memory_space<vmem>>, vector<16xf32>,
    tpu.vector_store %arg5[%swap3A_105], %broadcast_in_dim3A_3 {strides = array<i32>} : memref<1024xf32, #tpu.memory_space<vmem>>, vector<16xf32>,
    %swap3A_107 = arith.constant 816 : index
    %swap3A_108 = tpu.vector_load %arg5[%swap3A_107] {strides = array<i32>} : memref<1024xf32, #tpu.memory_space<vmem>>, vector<16xf32>,
    tpu.vector_store %arg5[%swap3A_107], %broadcast_in_dim3A_3 {strides = array<i32>} : memref<1024xf32, #tpu.memory_space<vmem>>, vector<16xf32>,
    %swap3A_109 = arith.constant 832 : index
    %swap3A_110 = tpu.vector_load %arg5[%swap3A_109] {strides = array<i32>} : memref<1024xf32, #tpu.memory_space<vmem>>, vector<16xf32>,
    tpu.vector_store %arg5[%swap3A_109], %broadcast_in_dim3A_3 {strides = array<i32>} : memref<1024xf32, #tpu.memory_space<vmem>>, vector<16xf32>,
    %swap3A_111 = arith.constant 848 : index
    %swap3A_112 = tpu.vector_load %arg5[%swap3A_111] {strides = array<i32>} : memref<1024xf32, #tpu.memory_space<vmem>>, vector<16xf32>,
    tpu.vector_store %arg5[%swap3A_111], %broadcast_in_dim3A_3 {strides = array<i32>} : memref<1024xf32, #tpu.memory_space<vmem>>, vector<16xf32>,
    %swap3A_113 = arith.constant 864 : index
    %swap3A_114 = tpu.vector_load %arg5[%swap3A_113] {strides = array<i32>} : memref<1024xf32, #tpu.memory_space<vmem>>, vector<16xf32>,
    tpu.vector_store %arg5[%swap3A_113], %broadcast_in_dim3A_3 {strides = array<i32>} : memref<1024xf32, #tpu.memory_space<vmem>>, vector<16xf32>,
    %swap3A_115 = arith.constant 880 : index
    %swap3A_116 = tpu.vector_load %arg5[%swap3A_115] {strides = array<i32>} : memref<1024xf32, #tpu.memory_space<vmem>>, vector<16xf32>,
    tpu.vector_store %arg5[%swap3A_115], %broadcast_in_dim3A_3 {strides = array<i32>} : memref<1024xf32, #tpu.memory_space<vmem>>, vector<16xf32>,
    %swap3A_117 = arith.constant 896 : index
    %swap3A_118 = tpu.vector_load %arg5[%swap3A_117] {strides = array<i32>} : memref<1024xf32, #tpu.memory_space<vmem>>, vector<16xf32>,
    tpu.vector_store %arg5[%swap3A_117], %broadcast_in_dim3A_3 {strides = array<i32>} : memref<1024xf32, #tpu.memory_space<vmem>>, vector<16xf32>,
    %swap3A_119 = arith.constant 912 : index
    %swap3A_120 = tpu.vector_load %arg5[%swap3A_119] {strides = array<i32>} : memref<1024xf32, #tpu.memory_space<vmem>>, vector<16xf32>,
    tpu.vector_store %arg5[%swap3A_119], %broadcast_in_dim3A_3 {strides = array<i32>} : memref<1024xf32, #tpu.memory_space<vmem>>, vector<16xf32>,
    %swap3A_121 = arith.constant 928 : index
    %swap3A_122 = tpu.vector_load %arg5[%swap3A_121] {strides = array<i32>} : memref<1024xf32, #tpu.memory_space<vmem>>, vector<16xf32>,
    tpu.vector_store %arg5[%swap3A_121], %broadcast_in_dim3A_3 {strides = array<i32>} : memref<1024xf32, #tpu.memory_space<vmem>>, vector<16xf32>,
    %swap3A_123 = arith.constant 944 : index
    %swap3A_124 = tpu.vector_load %arg5[%swap3A_123] {strides = array<i32>} : memref<1024xf32, #tpu.memory_space<vmem>>, vector<16xf32>,
    tpu.vector_store %arg5[%swap3A_123], %broadcast_in_dim3A_3 {strides = array<i32>} : memref<1024xf32, #tpu.memory_space<vmem>>, vector<16xf32>,
    %swap3A_125 = arith.constant 960 : index
    %swap3A_126 = tpu.vector_load %arg5[%swap3A_125] {strides = array<i32>} : memref<1024xf32, #tpu.memory_space<vmem>>, vector<16xf32>,
    tpu.vector_store %arg5[%swap3A_125], %broadcast_in_dim3A_3 {strides = array<i32>} : memref<1024xf32, #tpu.memory_space<vmem>>, vector<16xf32>,
    %swap3A_127 = arith.constant 976 : index
    %swap3A_128 = tpu.vector_load %arg5[%swap3A_127] {strides = array<i32>} : memref<1024xf32, #tpu.memory_space<vmem>>, vector<16xf32>,
    tpu.vector_store %arg5[%swap3A_127], %broadcast_in_dim3A_3 {strides = array<i32>} : memref<1024xf32, #tpu.memory_space<vmem>>, vector<16xf32>,
    %swap3A_129 = arith.constant 992 : index
    %swap3A_130 = tpu.vector_load %arg5[%swap3A_129] {strides = array<i32>} : memref<1024xf32, #tpu.memory_space<vmem>>, vector<16xf32>,
    tpu.vector_store %arg5[%swap3A_129], %broadcast_in_dim3A_3 {strides = array<i32>} : memref<1024xf32, #tpu.memory_space<vmem>>, vector<16xf32>,
    %swap3A_131 = arith.constant 1008 : index
    %swap3A_132 = tpu.vector_load %arg5[%swap3A_131] {strides = array<i32>} : memref<1024xf32, #tpu.memory_space<vmem>>, vector<16xf32>,
    tpu.vector_store %arg5[%swap3A_131], %broadcast_in_dim3A_3 {strides = array<i32>} : memref<1024xf32, #tpu.memory_space<vmem>>, vector<16xf32>,
    %get3A = arith.constant 0 : index
    %get3A_133 = tpu.vector_load %arg4[%get3A] {strides = array<i32>} : memref<1024xi32, #tpu.memory_space<vmem>>, vector<16xi32>,
    tpu.vector_store_idx %arg5[%get3A_133], %broadcast_in_dim3A_5 : memref<1024xf32, #tpu.memory_space<vmem>>[vector<16xi32>], vector<16xf32>,
    %get3A_134 = arith.constant 16 : index
    %get3A_135 = tpu.vector_load %arg4[%get3A_134] {strides = array<i32>} : memref<1024xi32, #tpu.memory_space<vmem>>, vector<16xi32>,
    tpu.vector_store_idx %arg5[%get3A_135], %broadcast_in_dim3A_5 : memref<1024xf32, #tpu.memory_space<vmem>>[vector<16xi32>], vector<16xf32>,
    %get3A_136 = arith.constant 32 : index
    %get3A_137 = tpu.vector_load %arg4[%get3A_136] {strides = array<i32>} : memref<1024xi32, #tpu.memory_space<vmem>>, vector<16xi32>,
    tpu.vector_store_idx %arg5[%get3A_137], %broadcast_in_dim3A_5 : memref<1024xf32, #tpu.memory_space<vmem>>[vector<16xi32>], vector<16xf32>,
    %get3A_138 = arith.constant 48 : index
    %get3A_139 = tpu.vector_load %arg4[%get3A_138] {strides = array<i32>} : memref<1024xi32, #tpu.memory_space<vmem>>, vector<16xi32>,
    tpu.vector_store_idx %arg5[%get3A_139], %broadcast_in_dim3A_5 : memref<1024xf32, #tpu.memory_space<vmem>>[vector<16xi32>], vector<16xf32>,
    %get3A_140 = arith.constant 64 : index
    %get3A_141 = tpu.vector_load %arg4[%get3A_140] {strides = array<i32>} : memref<1024xi32, #tpu.memory_space<vmem>>, vector<16xi32>,
    tpu.vector_store_idx %arg5[%get3A_141], %broadcast_in_dim3A_5 : memref<1024xf32, #tpu.memory_space<vmem>>[vector<16xi32>], vector<16xf32>,
    %get3A_142 = arith.constant 80 : index
    %get3A_143 = tpu.vector_load %arg4[%get3A_142] {strides = array<i32>} : memref<1024xi32, #tpu.memory_space<vmem>>, vector<16xi32>,
    tpu.vector_store_idx %arg5[%get3A_143], %broadcast_in_dim3A_5 : memref<1024xf32, #tpu.memory_space<vmem>>[vector<16xi32>], vector<16xf32>,
    %get3A_144 = arith.constant 96 : index
    %get3A_145 = tpu.vector_load %arg4[%get3A_144] {strides = array<i32>} : memref<1024xi32, #tpu.memory_space<vmem>>, vector<16xi32>,
    tpu.vector_store_idx %arg5[%get3A_145], %broadcast_in_dim3A_5 : memref<1024xf32, #tpu.memory_space<vmem>>[vector<16xi32>], vector<16xf32>,
    %get3A_146 = arith.constant 112 : index
    %get3A_147 = tpu.vector_load %arg4[%get3A_146] {strides = array<i32>} : memref<1024xi32, #tpu.memory_space<vmem>>, vector<16xi32>,
    tpu.vector_store_idx %arg5[%get3A_147], %broadcast_in_dim3A_5 : memref<1024xf32, #tpu.memory_space<vmem>>[vector<16xi32>], vector<16xf32>,
    %get3A_148 = arith.constant 128 : index
    %get3A_149 = tpu.vector_load %arg4[%get3A_148] {strides = array<i32>} : memref<1024xi32, #tpu.memory_space<vmem>>, vector<16xi32>,
    tpu.vector_store_idx %arg5[%get3A_149], %broadcast_in_dim3A_5 : memref<1024xf32, #tpu.memory_space<vmem>>[vector<16xi32>], vector<16xf32>,
    %get3A_150 = arith.constant 144 : index
    %get3A_151 = tpu.vector_load %arg4[%get3A_150] {strides = array<i32>} : memref<1024xi32, #tpu.memory_space<vmem>>, vector<16xi32>,
    tpu.vector_store_idx %arg5[%get3A_151], %broadcast_in_dim3A_5 : memref<1024xf32, #tpu.memory_space<vmem>>[vector<16xi32>], vector<16xf32>,
    %get3A_152 = arith.constant 160 : index
    %get3A_153 = tpu.vector_load %arg4[%get3A_152] {strides = array<i32>} : memref<1024xi32, #tpu.memory_space<vmem>>, vector<16xi32>,
    tpu.vector_store_idx %arg5[%get3A_153], %broadcast_in_dim3A_5 : memref<1024xf32, #tpu.memory_space<vmem>>[vector<16xi32>], vector<16xf32>,
    %get3A_154 = arith.constant 176 : index
    %get3A_155 = tpu.vector_load %arg4[%get3A_154] {strides = array<i32>} : memref<1024xi32, #tpu.memory_space<vmem>>, vector<16xi32>,
    tpu.vector_store_idx %arg5[%get3A_155], %broadcast_in_dim3A_5 : memref<1024xf32, #tpu.memory_space<vmem>>[vector<16xi32>], vector<16xf32>,
    %get3A_156 = arith.constant 192 : index
    %get3A_157 = tpu.vector_load %arg4[%get3A_156] {strides = array<i32>} : memref<1024xi32, #tpu.memory_space<vmem>>, vector<16xi32>,
    tpu.vector_store_idx %arg5[%get3A_157], %broadcast_in_dim3A_5 : memref<1024xf32, #tpu.memory_space<vmem>>[vector<16xi32>], vector<16xf32>,
    %get3A_158 = arith.constant 208 : index
    %get3A_159 = tpu.vector_load %arg4[%get3A_158] {strides = array<i32>} : memref<1024xi32, #tpu.memory_space<vmem>>, vector<16xi32>,
    tpu.vector_store_idx %arg5[%get3A_159], %broadcast_in_dim3A_5 : memref<1024xf32, #tpu.memory_space<vmem>>[vector<16xi32>], vector<16xf32>,
    %get3A_160 = arith.constant 224 : index
    %get3A_161 = tpu.vector_load %arg4[%get3A_160] {strides = array<i32>} : memref<1024xi32, #tpu.memory_space<vmem>>, vector<16xi32>,
    tpu.vector_store_idx %arg5[%get3A_161], %broadcast_in_dim3A_5 : memref<1024xf32, #tpu.memory_space<vmem>>[vector<16xi32>], vector<16xf32>,
    %get3A_162 = arith.constant 240 : index
    %get3A_163 = tpu.vector_load %arg4[%get3A_162] {strides = array<i32>} : memref<1024xi32, #tpu.memory_space<vmem>>, vector<16xi32>,
    tpu.vector_store_idx %arg5[%get3A_163], %broadcast_in_dim3A_5 : memref<1024xf32, #tpu.memory_space<vmem>>[vector<16xi32>], vector<16xf32>,
    %get3A_164 = arith.constant 256 : index
    %get3A_165 = tpu.vector_load %arg4[%get3A_164] {strides = array<i32>} : memref<1024xi32, #tpu.memory_space<vmem>>, vector<16xi32>,
    tpu.vector_store_idx %arg5[%get3A_165], %broadcast_in_dim3A_5 : memref<1024xf32, #tpu.memory_space<vmem>>[vector<16xi32>], vector<16xf32>,
    %get3A_166 = arith.constant 272 : index
    %get3A_167 = tpu.vector_load %arg4[%get3A_166] {strides = array<i32>} : memref<1024xi32, #tpu.memory_space<vmem>>, vector<16xi32>,
    tpu.vector_store_idx %arg5[%get3A_167], %broadcast_in_dim3A_5 : memref<1024xf32, #tpu.memory_space<vmem>>[vector<16xi32>], vector<16xf32>,
    %get3A_168 = arith.constant 288 : index
    %get3A_169 = tpu.vector_load %arg4[%get3A_168] {strides = array<i32>} : memref<1024xi32, #tpu.memory_space<vmem>>, vector<16xi32>,
    tpu.vector_store_idx %arg5[%get3A_169], %broadcast_in_dim3A_5 : memref<1024xf32, #tpu.memory_space<vmem>>[vector<16xi32>], vector<16xf32>,
    %get3A_170 = arith.constant 304 : index
    %get3A_171 = tpu.vector_load %arg4[%get3A_170] {strides = array<i32>} : memref<1024xi32, #tpu.memory_space<vmem>>, vector<16xi32>,
    tpu.vector_store_idx %arg5[%get3A_171], %broadcast_in_dim3A_5 : memref<1024xf32, #tpu.memory_space<vmem>>[vector<16xi32>], vector<16xf32>,
    %get3A_172 = arith.constant 320 : index
    %get3A_173 = tpu.vector_load %arg4[%get3A_172] {strides = array<i32>} : memref<1024xi32, #tpu.memory_space<vmem>>, vector<16xi32>,
    tpu.vector_store_idx %arg5[%get3A_173], %broadcast_in_dim3A_5 : memref<1024xf32, #tpu.memory_space<vmem>>[vector<16xi32>], vector<16xf32>,
    %get3A_174 = arith.constant 336 : index
    %get3A_175 = tpu.vector_load %arg4[%get3A_174] {strides = array<i32>} : memref<1024xi32, #tpu.memory_space<vmem>>, vector<16xi32>,
    tpu.vector_store_idx %arg5[%get3A_175], %broadcast_in_dim3A_5 : memref<1024xf32, #tpu.memory_space<vmem>>[vector<16xi32>], vector<16xf32>,
    %get3A_176 = arith.constant 352 : index
    %get3A_177 = tpu.vector_load %arg4[%get3A_176] {strides = array<i32>} : memref<1024xi32, #tpu.memory_space<vmem>>, vector<16xi32>,
    tpu.vector_store_idx %arg5[%get3A_177], %broadcast_in_dim3A_5 : memref<1024xf32, #tpu.memory_space<vmem>>[vector<16xi32>], vector<16xf32>,
    %get3A_178 = arith.constant 368 : index
    %get3A_179 = tpu.vector_load %arg4[%get3A_178] {strides = array<i32>} : memref<1024xi32, #tpu.memory_space<vmem>>, vector<16xi32>,
    tpu.vector_store_idx %arg5[%get3A_179], %broadcast_in_dim3A_5 : memref<1024xf32, #tpu.memory_space<vmem>>[vector<16xi32>], vector<16xf32>,
    %get3A_180 = arith.constant 384 : index
    %get3A_181 = tpu.vector_load %arg4[%get3A_180] {strides = array<i32>} : memref<1024xi32, #tpu.memory_space<vmem>>, vector<16xi32>,
    tpu.vector_store_idx %arg5[%get3A_181], %broadcast_in_dim3A_5 : memref<1024xf32, #tpu.memory_space<vmem>>[vector<16xi32>], vector<16xf32>,
    %get3A_182 = arith.constant 400 : index
    %get3A_183 = tpu.vector_load %arg4[%get3A_182] {strides = array<i32>} : memref<1024xi32, #tpu.memory_space<vmem>>, vector<16xi32>,
    tpu.vector_store_idx %arg5[%get3A_183], %broadcast_in_dim3A_5 : memref<1024xf32, #tpu.memory_space<vmem>>[vector<16xi32>], vector<16xf32>,
    %get3A_184 = arith.constant 416 : index
    %get3A_185 = tpu.vector_load %arg4[%get3A_184] {strides = array<i32>} : memref<1024xi32, #tpu.memory_space<vmem>>, vector<16xi32>,
    tpu.vector_store_idx %arg5[%get3A_185], %broadcast_in_dim3A_5 : memref<1024xf32, #tpu.memory_space<vmem>>[vector<16xi32>], vector<16xf32>,
    %get3A_186 = arith.constant 432 : index
    %get3A_187 = tpu.vector_load %arg4[%get3A_186] {strides = array<i32>} : memref<1024xi32, #tpu.memory_space<vmem>>, vector<16xi32>,
    tpu.vector_store_idx %arg5[%get3A_187], %broadcast_in_dim3A_5 : memref<1024xf32, #tpu.memory_space<vmem>>[vector<16xi32>], vector<16xf32>,
    %get3A_188 = arith.constant 448 : index
    %get3A_189 = tpu.vector_load %arg4[%get3A_188] {strides = array<i32>} : memref<1024xi32, #tpu.memory_space<vmem>>, vector<16xi32>,
    tpu.vector_store_idx %arg5[%get3A_189], %broadcast_in_dim3A_5 : memref<1024xf32, #tpu.memory_space<vmem>>[vector<16xi32>], vector<16xf32>,
    %get3A_190 = arith.constant 464 : index
    %get3A_191 = tpu.vector_load %arg4[%get3A_190] {strides = array<i32>} : memref<1024xi32, #tpu.memory_space<vmem>>, vector<16xi32>,
    tpu.vector_store_idx %arg5[%get3A_191], %broadcast_in_dim3A_5 : memref<1024xf32, #tpu.memory_space<vmem>>[vector<16xi32>], vector<16xf32>,
    %get3A_192 = arith.constant 480 : index
    %get3A_193 = tpu.vector_load %arg4[%get3A_192] {strides = array<i32>} : memref<1024xi32, #tpu.memory_space<vmem>>, vector<16xi32>,
    tpu.vector_store_idx %arg5[%get3A_193], %broadcast_in_dim3A_5 : memref<1024xf32, #tpu.memory_space<vmem>>[vector<16xi32>], vector<16xf32>,
    %get3A_194 = arith.constant 496 : index
    %get3A_195 = tpu.vector_load %arg4[%get3A_194] {strides = array<i32>} : memref<1024xi32, #tpu.memory_space<vmem>>, vector<16xi32>,
    tpu.vector_store_idx %arg5[%get3A_195], %broadcast_in_dim3A_5 : memref<1024xf32, #tpu.memory_space<vmem>>[vector<16xi32>], vector<16xf32>,
    %get3A_196 = arith.constant 512 : index
    %get3A_197 = tpu.vector_load %arg4[%get3A_196] {strides = array<i32>} : memref<1024xi32, #tpu.memory_space<vmem>>, vector<16xi32>,
    tpu.vector_store_idx %arg5[%get3A_197], %broadcast_in_dim3A_5 : memref<1024xf32, #tpu.memory_space<vmem>>[vector<16xi32>], vector<16xf32>,
    %get3A_198 = arith.constant 528 : index
    %get3A_199 = tpu.vector_load %arg4[%get3A_198] {strides = array<i32>} : memref<1024xi32, #tpu.memory_space<vmem>>, vector<16xi32>,
    tpu.vector_store_idx %arg5[%get3A_199], %broadcast_in_dim3A_5 : memref<1024xf32, #tpu.memory_space<vmem>>[vector<16xi32>], vector<16xf32>,
    %get3A_200 = arith.constant 544 : index
    %get3A_201 = tpu.vector_load %arg4[%get3A_200] {strides = array<i32>} : memref<1024xi32, #tpu.memory_space<vmem>>, vector<16xi32>,
    tpu.vector_store_idx %arg5[%get3A_201], %broadcast_in_dim3A_5 : memref<1024xf32, #tpu.memory_space<vmem>>[vector<16xi32>], vector<16xf32>,
    %get3A_202 = arith.constant 560 : index
    %get3A_203 = tpu.vector_load %arg4[%get3A_202] {strides = array<i32>} : memref<1024xi32, #tpu.memory_space<vmem>>, vector<16xi32>,
    tpu.vector_store_idx %arg5[%get3A_203], %broadcast_in_dim3A_5 : memref<1024xf32, #tpu.memory_space<vmem>>[vector<16xi32>], vector<16xf32>,
    %get3A_204 = arith.constant 576 : index
    %get3A_205 = tpu.vector_load %arg4[%get3A_204] {strides = array<i32>} : memref<1024xi32, #tpu.memory_space<vmem>>, vector<16xi32>,
    tpu.vector_store_idx %arg5[%get3A_205], %broadcast_in_dim3A_5 : memref<1024xf32, #tpu.memory_space<vmem>>[vector<16xi32>], vector<16xf32>,
    %get3A_206 = arith.constant 592 : index
    %get3A_207 = tpu.vector_load %arg4[%get3A_206] {strides = array<i32>} : memref<1024xi32, #tpu.memory_space<vmem>>, vector<16xi32>,
    tpu.vector_store_idx %arg5[%get3A_207], %broadcast_in_dim3A_5 : memref<1024xf32, #tpu.memory_space<vmem>>[vector<16xi32>], vector<16xf32>,
    %get3A_208 = arith.constant 608 : index
    %get3A_209 = tpu.vector_load %arg4[%get3A_208] {strides = array<i32>} : memref<1024xi32, #tpu.memory_space<vmem>>, vector<16xi32>,
    tpu.vector_store_idx %arg5[%get3A_209], %broadcast_in_dim3A_5 : memref<1024xf32, #tpu.memory_space<vmem>>[vector<16xi32>], vector<16xf32>,
    %get3A_210 = arith.constant 624 : index
    %get3A_211 = tpu.vector_load %arg4[%get3A_210] {strides = array<i32>} : memref<1024xi32, #tpu.memory_space<vmem>>, vector<16xi32>,
    tpu.vector_store_idx %arg5[%get3A_211], %broadcast_in_dim3A_5 : memref<1024xf32, #tpu.memory_space<vmem>>[vector<16xi32>], vector<16xf32>,
    %get3A_212 = arith.constant 640 : index
    %get3A_213 = tpu.vector_load %arg4[%get3A_212] {strides = array<i32>} : memref<1024xi32, #tpu.memory_space<vmem>>, vector<16xi32>,
    tpu.vector_store_idx %arg5[%get3A_213], %broadcast_in_dim3A_5 : memref<1024xf32, #tpu.memory_space<vmem>>[vector<16xi32>], vector<16xf32>,
    %get3A_214 = arith.constant 656 : index
    %get3A_215 = tpu.vector_load %arg4[%get3A_214] {strides = array<i32>} : memref<1024xi32, #tpu.memory_space<vmem>>, vector<16xi32>,
    tpu.vector_store_idx %arg5[%get3A_215], %broadcast_in_dim3A_5 : memref<1024xf32, #tpu.memory_space<vmem>>[vector<16xi32>], vector<16xf32>,
    %get3A_216 = arith.constant 672 : index
    %get3A_217 = tpu.vector_load %arg4[%get3A_216] {strides = array<i32>} : memref<1024xi32, #tpu.memory_space<vmem>>, vector<16xi32>,
    tpu.vector_store_idx %arg5[%get3A_217], %broadcast_in_dim3A_5 : memref<1024xf32, #tpu.memory_space<vmem>>[vector<16xi32>], vector<16xf32>,
    %get3A_218 = arith.constant 688 : index
    %get3A_219 = tpu.vector_load %arg4[%get3A_218] {strides = array<i32>} : memref<1024xi32, #tpu.memory_space<vmem>>, vector<16xi32>,
    tpu.vector_store_idx %arg5[%get3A_219], %broadcast_in_dim3A_5 : memref<1024xf32, #tpu.memory_space<vmem>>[vector<16xi32>], vector<16xf32>,
    %get3A_220 = arith.constant 704 : index
    %get3A_221 = tpu.vector_load %arg4[%get3A_220] {strides = array<i32>} : memref<1024xi32, #tpu.memory_space<vmem>>, vector<16xi32>,
    tpu.vector_store_idx %arg5[%get3A_221], %broadcast_in_dim3A_5 : memref<1024xf32, #tpu.memory_space<vmem>>[vector<16xi32>], vector<16xf32>,
    %get3A_222 = arith.constant 720 : index
    %get3A_223 = tpu.vector_load %arg4[%get3A_222] {strides = array<i32>} : memref<1024xi32, #tpu.memory_space<vmem>>, vector<16xi32>,
    tpu.vector_store_idx %arg5[%get3A_223], %broadcast_in_dim3A_5 : memref<1024xf32, #tpu.memory_space<vmem>>[vector<16xi32>], vector<16xf32>,
    %get3A_224 = arith.constant 736 : index
    %get3A_225 = tpu.vector_load %arg4[%get3A_224] {strides = array<i32>} : memref<1024xi32, #tpu.memory_space<vmem>>, vector<16xi32>,
    tpu.vector_store_idx %arg5[%get3A_225], %broadcast_in_dim3A_5 : memref<1024xf32, #tpu.memory_space<vmem>>[vector<16xi32>], vector<16xf32>,
    %get3A_226 = arith.constant 752 : index
    %get3A_227 = tpu.vector_load %arg4[%get3A_226] {strides = array<i32>} : memref<1024xi32, #tpu.memory_space<vmem>>, vector<16xi32>,
    tpu.vector_store_idx %arg5[%get3A_227], %broadcast_in_dim3A_5 : memref<1024xf32, #tpu.memory_space<vmem>>[vector<16xi32>], vector<16xf32>,
    %get3A_228 = arith.constant 768 : index
    %get3A_229 = tpu.vector_load %arg4[%get3A_228] {strides = array<i32>} : memref<1024xi32, #tpu.memory_space<vmem>>, vector<16xi32>,
    tpu.vector_store_idx %arg5[%get3A_229], %broadcast_in_dim3A_5 : memref<1024xf32, #tpu.memory_space<vmem>>[vector<16xi32>], vector<16xf32>,
    %get3A_230 = arith.constant 784 : index
    %get3A_231 = tpu.vector_load %arg4[%get3A_230] {strides = array<i32>} : memref<1024xi32, #tpu.memory_space<vmem>>, vector<16xi32>,
    tpu.vector_store_idx %arg5[%get3A_231], %broadcast_in_dim3A_5 : memref<1024xf32, #tpu.memory_space<vmem>>[vector<16xi32>], vector<16xf32>,
    %get3A_232 = arith.constant 800 : index
    %get3A_233 = tpu.vector_load %arg4[%get3A_232] {strides = array<i32>} : memref<1024xi32, #tpu.memory_space<vmem>>, vector<16xi32>,
    tpu.vector_store_idx %arg5[%get3A_233], %broadcast_in_dim3A_5 : memref<1024xf32, #tpu.memory_space<vmem>>[vector<16xi32>], vector<16xf32>,
    %get3A_234 = arith.constant 816 : index
    %get3A_235 = tpu.vector_load %arg4[%get3A_234] {strides = array<i32>} : memref<1024xi32, #tpu.memory_space<vmem>>, vector<16xi32>,
    tpu.vector_store_idx %arg5[%get3A_235], %broadcast_in_dim3A_5 : memref<1024xf32, #tpu.memory_space<vmem>>[vector<16xi32>], vector<16xf32>,
    %get3A_236 = arith.constant 832 : index
    %get3A_237 = tpu.vector_load %arg4[%get3A_236] {strides = array<i32>} : memref<1024xi32, #tpu.memory_space<vmem>>, vector<16xi32>,
    tpu.vector_store_idx %arg5[%get3A_237], %broadcast_in_dim3A_5 : memref<1024xf32, #tpu.memory_space<vmem>>[vector<16xi32>], vector<16xf32>,
    %get3A_238 = arith.constant 848 : index
    %get3A_239 = tpu.vector_load %arg4[%get3A_238] {strides = array<i32>} : memref<1024xi32, #tpu.memory_space<vmem>>, vector<16xi32>,
    tpu.vector_store_idx %arg5[%get3A_239], %broadcast_in_dim3A_5 : memref<1024xf32, #tpu.memory_space<vmem>>[vector<16xi32>], vector<16xf32>,
    %get3A_240 = arith.constant 864 : index
    %get3A_241 = tpu.vector_load %arg4[%get3A_240] {strides = array<i32>} : memref<1024xi32, #tpu.memory_space<vmem>>, vector<16xi32>,
    tpu.vector_store_idx %arg5[%get3A_241], %broadcast_in_dim3A_5 : memref<1024xf32, #tpu.memory_space<vmem>>[vector<16xi32>], vector<16xf32>,
    %get3A_242 = arith.constant 880 : index
    %get3A_243 = tpu.vector_load %arg4[%get3A_242] {strides = array<i32>} : memref<1024xi32, #tpu.memory_space<vmem>>, vector<16xi32>,
    tpu.vector_store_idx %arg5[%get3A_243], %broadcast_in_dim3A_5 : memref<1024xf32, #tpu.memory_space<vmem>>[vector<16xi32>], vector<16xf32>,
    %get3A_244 = arith.constant 896 : index
    %get3A_245 = tpu.vector_load %arg4[%get3A_244] {strides = array<i32>} : memref<1024xi32, #tpu.memory_space<vmem>>, vector<16xi32>,
    tpu.vector_store_idx %arg5[%get3A_245], %broadcast_in_dim3A_5 : memref<1024xf32, #tpu.memory_space<vmem>>[vector<16xi32>], vector<16xf32>,
    %get3A_246 = arith.constant 912 : index
    %get3A_247 = tpu.vector_load %arg4[%get3A_246] {strides = array<i32>} : memref<1024xi32, #tpu.memory_space<vmem>>, vector<16xi32>,
    tpu.vector_store_idx %arg5[%get3A_247], %broadcast_in_dim3A_5 : memref<1024xf32, #tpu.memory_space<vmem>>[vector<16xi32>], vector<16xf32>,
    %get3A_248 = arith.constant 928 : index
    %get3A_249 = tpu.vector_load %arg4[%get3A_248] {strides = array<i32>} : memref<1024xi32, #tpu.memory_space<vmem>>, vector<16xi32>,
    tpu.vector_store_idx %arg5[%get3A_249], %broadcast_in_dim3A_5 : memref<1024xf32, #tpu.memory_space<vmem>>[vector<16xi32>], vector<16xf32>,
    %get3A_250 = arith.constant 944 : index
    %get3A_251 = tpu.vector_load %arg4[%get3A_250] {strides = array<i32>} : memref<1024xi32, #tpu.memory_space<vmem>>, vector<16xi32>,
    tpu.vector_store_idx %arg5[%get3A_251], %broadcast_in_dim3A_5 : memref<1024xf32, #tpu.memory_space<vmem>>[vector<16xi32>], vector<16xf32>,
    %get3A_252 = arith.constant 960 : index
    %get3A_253 = tpu.vector_load %arg4[%get3A_252] {strides = array<i32>} : memref<1024xi32, #tpu.memory_space<vmem>>, vector<16xi32>,
    tpu.vector_store_idx %arg5[%get3A_253], %broadcast_in_dim3A_5 : memref<1024xf32, #tpu.memory_space<vmem>>[vector<16xi32>], vector<16xf32>,
    %get3A_254 = arith.constant 976 : index
    %get3A_255 = tpu.vector_load %arg4[%get3A_254] {strides = array<i32>} : memref<1024xi32, #tpu.memory_space<vmem>>, vector<16xi32>,
    tpu.vector_store_idx %arg5[%get3A_255], %broadcast_in_dim3A_5 : memref<1024xf32, #tpu.memory_space<vmem>>[vector<16xi32>], vector<16xf32>,
    %get3A_256 = arith.constant 992 : index
    %get3A_257 = tpu.vector_load %arg4[%get3A_256] {strides = array<i32>} : memref<1024xi32, #tpu.memory_space<vmem>>, vector<16xi32>,
    tpu.vector_store_idx %arg5[%get3A_257], %broadcast_in_dim3A_5 : memref<1024xf32, #tpu.memory_space<vmem>>[vector<16xi32>], vector<16xf32>,
    %get3A_258 = arith.constant 1008 : index
    %get3A_259 = tpu.vector_load %arg4[%get3A_258] {strides = array<i32>} : memref<1024xi32, #tpu.memory_space<vmem>>, vector<16xi32>,
    tpu.vector_store_idx %arg5[%get3A_259], %broadcast_in_dim3A_5 : memref<1024xf32, #tpu.memory_space<vmem>>[vector<16xi32>], vector<16xf32>,
    "tpu.region"() ({
      %run_scoped3A = tpu.sem_alloc : memref<!tpu.dma_semaphore, #tpu.memory_space<semaphore_mem>>
      %dma_start3A = arith.constant 0 : i32
      %dma_start3A_260 = tpu.memref_slice %arg3[%add3A, %dma_start3A] : memref<32x1024xf32, #tpu.memory_space<hbm>> -> memref<1x1024xf32, #tpu.memory_space<hbm>>
      %dma_start3A_261 = tpu.memref_squeeze %dma_start3A_260 : memref<1x1024xf32, #tpu.memory_space<hbm>> -> memref<1024xf32, #tpu.memory_space<hbm>>
      %dma_start3A_262 = arith.constant 0 : i32
      %dma_start3A_263 = tpu.memref_slice %arg3[%add3A, %dma_start3A_262] : memref<32x1024xf32, #tpu.memory_space<hbm>> -> memref<1x1024xf32, #tpu.memory_space<hbm>>
      %dma_start3A_264 = tpu.memref_squeeze %dma_start3A_263 : memref<1x1024xf32, #tpu.memory_space<hbm>> -> memref<1024xf32, #tpu.memory_space<hbm>>
      tpu.enqueue_dma source(%arg5 : memref<1024xf32, #tpu.memory_space<vmem>>) target(%dma_start3A_264 : memref<1024xf32, #tpu.memory_space<hbm>>) target_semaphore(%run_scoped3A : memref<!tpu.dma_semaphore, #tpu.memory_space<semaphore_mem>>)
      %dma_wait3A = arith.constant 0 : i32
      %dma_wait3A_265 = tpu.memref_slice %arg3[%add3A, %dma_wait3A] : memref<32x1024xf32, #tpu.memory_space<hbm>> -> memref<1x1024xf32, #tpu.memory_space<hbm>>
      %dma_wait3A_266 = tpu.memref_squeeze %dma_wait3A_265 : memref<1x1024xf32, #tpu.memory_space<hbm>> -> memref<1024xf32, #tpu.memory_space<hbm>>
      %dma_wait3A_267 = arith.constant 0 : i32
      %dma_wait3A_268 = tpu.memref_slice %arg3[%add3A, %dma_wait3A_267] : memref<32x1024xf32, #tpu.memory_space<hbm>> -> memref<1x1024xf32, #tpu.memory_space<hbm>>
      %dma_wait3A_269 = tpu.memref_squeeze %dma_wait3A_268 : memref<1x1024xf32, #tpu.memory_space<hbm>> -> memref<1024xf32, #tpu.memory_space<hbm>>
      tpu.wait_dma2 semaphore(%run_scoped3A : memref<!tpu.dma_semaphore, #tpu.memory_space<semaphore_mem>>) src(%arg5 : memref<1024xf32, #tpu.memory_space<vmem>>) dst(%dma_wait3A_269 : memref<1024xf32, #tpu.memory_space<hbm>>)
      tpu.yield
    }) : () -> ()
    return
  }
}

module attributes {stable_mosaic.version = 14 : i64} {
  func.func @_vq_block_kernel(%arg0: i32, %arg1: memref<1x64x1024xf32, #tpu.memory_space<vmem>>, %arg2: memref<1024x64xf32, #tpu.memory_space<vmem>>, %arg3: memref<1024x64xf32, #tpu.memory_space<vmem>>, %arg4: memref<1x1x1024xf32, #tpu.memory_space<vmem>>, %arg5: memref<1024x1xf32, #tpu.memory_space<vmem>>, %arg6: memref<1x64x1024xf32, #tpu.memory_space<vmem>>, %arg7: memref<1x1xf32, #tpu.memory_space<smem>>, %arg8: memref<1x1x1024xi32, #tpu.memory_space<vmem>>, %arg9: memref<1x1xf32, #tpu.memory_space<smem>>) attributes {dimension_semantics = [#tpu.dimension_semantics<arbitrary>], iteration_bounds = array<i64: 32>, scalar_prefetch = 0 : i64, scratch_operands = 1 : i64, tpu.core_type = #tpu.core_type<tc>, window_params = [{transform_indices = @transform_0, window_bounds = array<i64: 1, 64, 1024>}, {pipeline_mode = #tpu.pipeline_mode<synchronous>, transform_indices = @transform_1, window_bounds = array<i64: 1024, 64>}, {pipeline_mode = #tpu.pipeline_mode<synchronous>, transform_indices = @transform_2, window_bounds = array<i64: 1024, 64>}, {transform_indices = @transform_3, window_bounds = array<i64: 1, 1, 1024>}, {pipeline_mode = #tpu.pipeline_mode<synchronous>, transform_indices = @transform_4, window_bounds = array<i64: 1024, 1>}, {transform_indices = @transform_5, window_bounds = array<i64: 1, 64, 1024>}, {transform_indices = @transform_6, window_bounds = array<i64: 1, 1>}, {transform_indices = @transform_7, window_bounds = array<i64: 1, 1, 1024>}]} {
    %eq3A = arith.constant 0 : i32
    %eq3A_0 = arith.cmpi eq, %arg0, %eq3A : i32
    %convert_element_type3A = arith.extui %eq3A_0 : i1 to i32
    %cond3A = arith.constant 0 : i32
    %cond3A_1 = arith.cmpi ne, %convert_element_type3A, %cond3A : i32
    scf.if %cond3A_1 {
      %swap3A_65 = arith.constant 0.000000e+00 : f32
      %swap3A_66 = arith.constant 0 : index
      %swap3A_67 = arith.constant 0 : index
      %swap3A_68 = memref.load %arg9[%swap3A_66, %swap3A_67] : memref<1x1xf32, #tpu.memory_space<smem>>
      memref.store %swap3A_65, %arg9[%swap3A_66, %swap3A_67] : memref<1x1xf32, #tpu.memory_space<smem>>
    } else {
    }
    %get3A = arith.constant 0 : index
    %get3A_2 = arith.constant 0 : index
    %get3A_3 = arith.constant 0 : index
    %get3A_4 = vector.load %arg1[%get3A, %get3A_2, %get3A_3] : memref<1x64x1024xf32, #tpu.memory_space<vmem>>, vector<1x64x1024xf32>
    %get3A_5 = vector.shape_cast %get3A_4 : vector<1x64x1024xf32> to vector<64x1024xf32>
    %get3A_6 = arith.constant 0 : index
    %get3A_7 = arith.constant 0 : index
    %get3A_8 = vector.load %arg2[%get3A_6, %get3A_7] : memref<1024x64xf32, #tpu.memory_space<vmem>>, vector<1024x64xf32>
    %get3A_9 = arith.constant 0 : index
    %get3A_10 = arith.constant 0 : index
    %get3A_11 = vector.load %arg3[%get3A_9, %get3A_10] : memref<1024x64xf32, #tpu.memory_space<vmem>>, vector<1024x64xf32>
    %dot_general3A = arith.constant dense<0.000000e+00> : vector<1024x1024xf32>
    %dot_general3A_12 = tpu.matmul %get3A_11, %get3A_5, %dot_general3A {dimension_numbers = #tpu.dot_dimension_numbers<[1], [0], [0], [1], [0, 0, 1, 1], [], []>, transpose_lhs_hint = false} : vector<1024x64xf32>, vector<64x1024xf32>, vector<1024x1024xf32> -> vector<1024x1024xf32>
    %get3A_13 = arith.constant 0 : index
    %get3A_14 = arith.constant 0 : index
    %get3A_15 = arith.constant 0 : index
    %get3A_16 = vector.load %arg4[%get3A_13, %get3A_14, %get3A_15] : memref<1x1x1024xf32, #tpu.memory_space<vmem>>, vector<1x1x1024xf32>
    %get3A_17 = vector.shape_cast %get3A_16 : vector<1x1x1024xf32> to vector<1x1024xf32>
    %add3A = vector.broadcast %get3A_17 : vector<1x1024xf32> to vector<1024x1024xf32>
    %add3A_18 = arith.addf %add3A, %dot_general3A_12 : vector<1024x1024xf32>
    %get3A_19 = arith.constant 0 : index
    %get3A_20 = arith.constant 0 : index
    %get3A_21 = vector.load %arg5[%get3A_19, %get3A_20] : memref<1024x1xf32, #tpu.memory_space<vmem>>, vector<1024x1xf32>
    %add3A_22 = vector.broadcast %get3A_21 : vector<1024x1xf32> to vector<1024x1024xf32>
    %add3A_23 = arith.addf %add3A_18, %add3A_22 : vector<1024x1024xf32>
    %reduce_min3A = arith.constant dense<0x7F800000> : vector<1024xf32>
    %reduce_min3A_24 = vector.multi_reduction <minimumf>, %add3A_23, %reduce_min3A [0] : vector<1024x1024xf32> to vector<1024xf32>
    %broadcast_in_dim3A = vector.shape_cast %reduce_min3A_24 : vector<1024xf32> to vector<1x1024xf32>
    %iota3A = tpu.iota {dimensions = array<i32: 0>} : vector<1024x1024xi32>
    %eq3A_25 = vector.broadcast %broadcast_in_dim3A : vector<1x1024xf32> to vector<1024x1024xf32>
    %eq3A_26 = arith.cmpf oeq, %add3A_23, %eq3A_25 : vector<1024x1024xf32>
    %jit3A = arith.constant 1024 : i32
    %broadcast_in_dim3A_27 = vector.broadcast %jit3A : i32 to vector<1024x1024xi32>
    %select_n3A = arith.select %eq3A_26, %iota3A, %broadcast_in_dim3A_27 : vector<1024x1024xi1>, vector<1024x1024xi32>
    %reduce_min3A_28 = arith.constant dense<2147483647> : vector<1024xi32>
    %reduce_min3A_29 = vector.multi_reduction <minsi>, %select_n3A, %reduce_min3A_28 [0] : vector<1024x1024xi32> to vector<1024xi32>
    %swap3A = arith.constant 0 : index
    %swap3A_30 = arith.constant 0 : index
    %swap3A_31 = arith.constant 0 : index
    %swap3A_32 = vector.load %arg8[%swap3A, %swap3A_30, %swap3A_31] : memref<1x1x1024xi32, #tpu.memory_space<vmem>>, vector<1x1x1024xi32>
    %swap3A_33 = vector.shape_cast %swap3A_32 : vector<1x1x1024xi32> to vector<1024xi32>
    %swap3A_34 = vector.shape_cast %reduce_min3A_29 : vector<1024xi32> to vector<1x1x1024xi32>
    tpu.vector_store %arg8[%swap3A, %swap3A_30, %swap3A_31], %swap3A_34 {strides = array<i32>} : memref<1x1x1024xi32, #tpu.memory_space<vmem>>, vector<1x1x1024xi32>,
    %broadcast_in_dim3A_35 = vector.shape_cast %reduce_min3A_29 : vector<1024xi32> to vector<1x1024xi32>
    %eq3A_36 = vector.broadcast %broadcast_in_dim3A_35 : vector<1x1024xi32> to vector<1024x1024xi32>
    %eq3A_37 = arith.cmpi eq, %iota3A, %eq3A_36 : vector<1024x1024xi32>
    %convert_element_type3A_38 = arith.extui %eq3A_37 : vector<1024x1024xi1> to vector<1024x1024xi32>
    %convert_element_type3A_39 = arith.sitofp %convert_element_type3A_38 : vector<1024x1024xi32> to vector<1024x1024xf32>
    %dot_general3A_40 = arith.constant dense<0.000000e+00> : vector<64x1024xf32>
    %dot_general3A_41 = tpu.matmul %get3A_8, %convert_element_type3A_39, %dot_general3A_40 {dimension_numbers = #tpu.dot_dimension_numbers<[0], [0], [1], [1], [0, 1, 1, 1], [], []>, transpose_lhs_hint = false} : vector<1024x64xf32>, vector<1024x1024xf32>, vector<64x1024xf32> -> vector<64x1024xf32>
    %sub3A = arith.subf %dot_general3A_41, %get3A_5 : vector<64x1024xf32>
    %add3A_42 = arith.addf %get3A_5, %sub3A : vector<64x1024xf32>
    %swap3A_43 = arith.constant 0 : index
    %swap3A_44 = arith.constant 0 : index
    %swap3A_45 = arith.constant 0 : index
    %swap3A_46 = vector.load %arg6[%swap3A_43, %swap3A_44, %swap3A_45] : memref<1x64x1024xf32, #tpu.memory_space<vmem>>, vector<1x64x1024xf32>
    %swap3A_47 = vector.shape_cast %swap3A_46 : vector<1x64x1024xf32> to vector<64x1024xf32>
    %swap3A_48 = vector.shape_cast %add3A_42 : vector<64x1024xf32> to vector<1x64x1024xf32>
    tpu.vector_store %arg6[%swap3A_43, %swap3A_44, %swap3A_45], %swap3A_48 {strides = array<i32>} : memref<1x64x1024xf32, #tpu.memory_space<vmem>>, vector<1x64x1024xf32>,
    %get3A_49 = arith.constant 0 : index
    %get3A_50 = arith.constant 0 : index
    %get3A_51 = memref.load %arg9[%get3A_49, %get3A_50] : memref<1x1xf32, #tpu.memory_space<smem>>
    %squeeze3A = vector.shape_cast %broadcast_in_dim3A : vector<1x1024xf32> to vector<1024xf32>
    %reduce_sum3A = vector.shape_cast %squeeze3A : vector<1024xf32> to vector<1x1024xf32>
    %reduce_sum3A_52 = arith.constant dense<0.000000e+00> : vector<1xf32>
    %reduce_sum3A_53 = vector.multi_reduction <add>, %reduce_sum3A, %reduce_sum3A_52 [1] : vector<1x1024xf32> to vector<1xf32>
    %reduce_sum3A_54 = vector.shape_cast %reduce_sum3A_53 : vector<1xf32> to vector<1x1xf32>
    %reduce_sum3A_55 = vector.extract %reduce_sum3A_54[0, 0] : f32 from vector<1x1xf32>
    %add3A_56 = arith.addf %get3A_51, %reduce_sum3A_55 : f32
    %swap3A_57 = arith.constant 0 : index
    %swap3A_58 = arith.constant 0 : index
    %swap3A_59 = memref.load %arg9[%swap3A_57, %swap3A_58] : memref<1x1xf32, #tpu.memory_space<smem>>
    memref.store %add3A_56, %arg9[%swap3A_57, %swap3A_58] : memref<1x1xf32, #tpu.memory_space<smem>>
    %eq3A_60 = arith.constant 31 : i32
    %eq3A_61 = arith.cmpi eq, %arg0, %eq3A_60 : i32
    %convert_element_type3A_62 = arith.extui %eq3A_61 : i1 to i32
    %cond3A_63 = arith.constant 0 : i32
    %cond3A_64 = arith.cmpi ne, %convert_element_type3A_62, %cond3A_63 : i32
    scf.if %cond3A_64 {
      %get3A_65 = arith.constant 0 : index
      %get3A_66 = arith.constant 0 : index
      %get3A_67 = memref.load %arg9[%get3A_65, %get3A_66] : memref<1x1xf32, #tpu.memory_space<smem>>
      %swap3A_68 = arith.constant 0 : index
      %swap3A_69 = arith.constant 0 : index
      %swap3A_70 = memref.load %arg7[%swap3A_68, %swap3A_69] : memref<1x1xf32, #tpu.memory_space<smem>>
      memref.store %get3A_67, %arg7[%swap3A_68, %swap3A_69] : memref<1x1xf32, #tpu.memory_space<smem>>
    } else {
    }
    return
  }
  func.func @transform_0(%arg0: i32) -> (i32, i32, i32) {
    %jit3A = arith.constant 8 : i32
    %div3A = arith.divsi %arg0, %jit3A : i32
    %sign3A = arith.constant 0 : i32
    %sign3A_0 = arith.cmpi sgt, %arg0, %sign3A : i32
    %sign3A_1 = arith.extui %sign3A_0 : i1 to i32
    %sign3A_2 = arith.constant 0 : i32
    %sign3A_3 = arith.cmpi slt, %arg0, %sign3A_2 : i32
    %sign3A_4 = arith.extui %sign3A_3 : i1 to i32
    %sign3A_5 = arith.subi %sign3A_1, %sign3A_4 : i32
    %sign3A_6 = arith.constant 0 : i32
    %sign3A_7 = arith.cmpi sgt, %jit3A, %sign3A_6 : i32
    %sign3A_8 = arith.extui %sign3A_7 : i1 to i32
    %sign3A_9 = arith.constant 0 : i32
    %sign3A_10 = arith.cmpi slt, %jit3A, %sign3A_9 : i32
    %sign3A_11 = arith.extui %sign3A_10 : i1 to i32
    %sign3A_12 = arith.subi %sign3A_8, %sign3A_11 : i32
    %ne3A = arith.cmpi ne, %sign3A_5, %sign3A_12 : i32
    %rem3A = arith.remsi %arg0, %jit3A : i32
    %ne3A_13 = arith.constant 0 : i32
    %ne3A_14 = arith.cmpi ne, %rem3A, %ne3A_13 : i32
    %and3A = arith.andi %ne3A, %ne3A_14 : i1
    %sub3A = arith.constant 1 : i32
    %sub3A_15 = arith.subi %div3A, %sub3A : i32
    %select_n3A = arith.select %and3A, %sub3A_15, %div3A : i32
    %jit3A_16 = arith.constant 8 : i32
    %eq3A = arith.constant 0 : i32
    %eq3A_17 = arith.cmpi eq, %jit3A_16, %eq3A : i32
    %jit3A_18 = arith.constant 1 : i32
    %select_n3A_19 = arith.select %eq3A_17, %jit3A_18, %jit3A_16 : i32
    %rem3A_20 = arith.remsi %arg0, %select_n3A_19 : i32
    %ne3A_21 = arith.constant 0 : i32
    %ne3A_22 = arith.cmpi ne, %rem3A_20, %ne3A_21 : i32
    %lt3A = arith.constant 0 : i32
    %lt3A_23 = arith.cmpi slt, %rem3A_20, %lt3A : i32
    %lt3A_24 = arith.constant 0 : i32
    %lt3A_25 = arith.cmpi slt, %select_n3A_19, %lt3A_24 : i32
    %ne3A_26 = arith.xori %lt3A_23, %lt3A_25 : i1
    %and3A_27 = arith.andi %ne3A_26, %ne3A_22 : i1
    %add3A = arith.addi %rem3A_20, %select_n3A_19 : i32
    %select_n3A_28 = arith.select %and3A_27, %add3A, %rem3A_20 : i32
    %c0_i32 = arith.constant 0 : i32
    %c0_i32_29 = arith.constant 0 : i32
    return %select_n3A, %c0_i32, %select_n3A_28 : i32, i32, i32
  }
  func.func @transform_1(%arg0: i32) -> (i32, i32) {
    %c0_i32 = arith.constant 0 : i32
    %c0_i32_0 = arith.constant 0 : i32
    %c0_i32_1 = arith.constant 0 : i32
    return %c0_i32, %c0_i32_0 : i32, i32
  }
  func.func @transform_2(%arg0: i32) -> (i32, i32) {
    %c0_i32 = arith.constant 0 : i32
    %c0_i32_0 = arith.constant 0 : i32
    %c0_i32_1 = arith.constant 0 : i32
    return %c0_i32, %c0_i32_0 : i32, i32
  }
  func.func @transform_3(%arg0: i32) -> (i32, i32, i32) {
    %c0_i32 = arith.constant 0 : i32
    %c0_i32_0 = arith.constant 0 : i32
    %c0_i32_1 = arith.constant 0 : i32
    return %arg0, %c0_i32, %c0_i32_0 : i32, i32, i32
  }
  func.func @transform_4(%arg0: i32) -> (i32, i32) {
    %c0_i32 = arith.constant 0 : i32
    %c0_i32_0 = arith.constant 0 : i32
    %c0_i32_1 = arith.constant 0 : i32
    return %c0_i32, %c0_i32_0 : i32, i32
  }
  func.func @transform_5(%arg0: i32) -> (i32, i32, i32) {
    %jit3A = arith.constant 8 : i32
    %div3A = arith.divsi %arg0, %jit3A : i32
    %sign3A = arith.constant 0 : i32
    %sign3A_0 = arith.cmpi sgt, %arg0, %sign3A : i32
    %sign3A_1 = arith.extui %sign3A_0 : i1 to i32
    %sign3A_2 = arith.constant 0 : i32
    %sign3A_3 = arith.cmpi slt, %arg0, %sign3A_2 : i32
    %sign3A_4 = arith.extui %sign3A_3 : i1 to i32
    %sign3A_5 = arith.subi %sign3A_1, %sign3A_4 : i32
    %sign3A_6 = arith.constant 0 : i32
    %sign3A_7 = arith.cmpi sgt, %jit3A, %sign3A_6 : i32
    %sign3A_8 = arith.extui %sign3A_7 : i1 to i32
    %sign3A_9 = arith.constant 0 : i32
    %sign3A_10 = arith.cmpi slt, %jit3A, %sign3A_9 : i32
    %sign3A_11 = arith.extui %sign3A_10 : i1 to i32
    %sign3A_12 = arith.subi %sign3A_8, %sign3A_11 : i32
    %ne3A = arith.cmpi ne, %sign3A_5, %sign3A_12 : i32
    %rem3A = arith.remsi %arg0, %jit3A : i32
    %ne3A_13 = arith.constant 0 : i32
    %ne3A_14 = arith.cmpi ne, %rem3A, %ne3A_13 : i32
    %and3A = arith.andi %ne3A, %ne3A_14 : i1
    %sub3A = arith.constant 1 : i32
    %sub3A_15 = arith.subi %div3A, %sub3A : i32
    %select_n3A = arith.select %and3A, %sub3A_15, %div3A : i32
    %jit3A_16 = arith.constant 8 : i32
    %eq3A = arith.constant 0 : i32
    %eq3A_17 = arith.cmpi eq, %jit3A_16, %eq3A : i32
    %jit3A_18 = arith.constant 1 : i32
    %select_n3A_19 = arith.select %eq3A_17, %jit3A_18, %jit3A_16 : i32
    %rem3A_20 = arith.remsi %arg0, %select_n3A_19 : i32
    %ne3A_21 = arith.constant 0 : i32
    %ne3A_22 = arith.cmpi ne, %rem3A_20, %ne3A_21 : i32
    %lt3A = arith.constant 0 : i32
    %lt3A_23 = arith.cmpi slt, %rem3A_20, %lt3A : i32
    %lt3A_24 = arith.constant 0 : i32
    %lt3A_25 = arith.cmpi slt, %select_n3A_19, %lt3A_24 : i32
    %ne3A_26 = arith.xori %lt3A_23, %lt3A_25 : i1
    %and3A_27 = arith.andi %ne3A_26, %ne3A_22 : i1
    %add3A = arith.addi %rem3A_20, %select_n3A_19 : i32
    %select_n3A_28 = arith.select %and3A_27, %add3A, %rem3A_20 : i32
    %c0_i32 = arith.constant 0 : i32
    %c0_i32_29 = arith.constant 0 : i32
    return %select_n3A, %c0_i32, %select_n3A_28 : i32, i32, i32
  }
  func.func @transform_6(%arg0: i32) -> (i32, i32) {
    %c0_i32 = arith.constant 0 : i32
    %c0_i32_0 = arith.constant 0 : i32
    %c0_i32_1 = arith.constant 0 : i32
    return %c0_i32, %c0_i32_0 : i32, i32
  }
  func.func @transform_7(%arg0: i32) -> (i32, i32, i32) {
    %c0_i32 = arith.constant 0 : i32
    %c0_i32_0 = arith.constant 0 : i32
    %c0_i32_1 = arith.constant 0 : i32
    return %arg0, %c0_i32, %c0_i32_0 : i32, i32, i32
  }
}

</mosaic_0001>

<sc_bundles>
// kernel: kernel.4.cloned.1.call-start
scs
__scs_entry_jumppad:
0x0: {  	(pc) =	sbr.rel $0x88, $3  }
0x1: {  	(tag) =	ssettag $0x0;
	lr =	simm.s32 $0x1  }
0x2: {  	[smem:$0x3F9F] =	sst lr;
	_ =	strace $0xD0000000  }
0x3: {  	_ = 	snop  }
0x4: {  	_ = 	snop  }
0x5: {  	_ = 	snop  }
0x6: {  	_ = 	snop  }
0x7: {  	_ = 	snop  }
__scs_overlays_trampoline_lowered:
0x8: {  	[smem:$0x3FAE] =	sst s0  }
0x9: {  	[smem:$0x3FAF] =	sst s1  }
0xa: {  	[smem:$0x3FB0] =	sst s2  }
0xb: {  	[smem:$0x3FB1] =	sst s3  }
0xc: {  	[smem:$0x3FB2] =	sst s4  }
0xd: {  	[smem:$0x3FB3] =	sst s5  }
0xe: {  	[smem:$0x3FB4] =	sst s6  }
0xf: {  	[smem:$0x3FB5] =	sst s7  }
0x10: {  	[smem:$0x3FB6] =	sst s8  }
0x11: {  	[smem:$0x3FB7] =	sst s9;
	s0 =	simm.s32 @!p0 $0x0  }
0x12: {  	s1 =	sld [smem:$0x3F9D];
	s0 =	simm.s32 @p0 $0x1  }
0x13: {  	[smem:$0x3FB8] =	sst s0;
	s0 =	simm.s32 @!p1 $0x0  }
0x14: {  	s2 =	sld [smem:$0x3F9C];
	s0 =	simm.s32 @p1 $0x1  }
0x15: {  	[smem:$0x3FB9] =	sst s0;
	s0 =	simm.s32 @!p2 $0x0  }
0x16: {  	s3 =	sld [smem:$0x3FDB];
	s0 =	simm.s32 @p2 $0x1  }
0x17: {  	s4 =	simm.s32 $0x1BF5;
	[smem:$0x3FBB] =	sst s0  }
0x18: {  	s0 =	sld [smem:$0x3F9E];
	_ =	swait.ge [sflag:s4], $0x0  }
0x19: {  	s7 =	sld [smem:$0x3F9F]  }
0x1a: {  	s8 =	sadd.s32 $0xFFFFE003, lr  }
0x1b: {  	s9 =	sadd.s32 $0xFFFFFEF7, lr;
	s5 =	simm.s32 $0xFFFFFFFF;
	p2 =	slt.u32 s8, $0xFFFFF086  }
0x1c: {  	p1 =	slt.u32 s9, $0xF7A;
	s5 =	simm.s32 @!p2 $0x0  }
0x1d: {  	s5 =	simm.s32 @p1 $0x1;
	p0 =	seq.s32 s7, s2  }
0x1e: {  	s7 =	smul.u32 @!p0 $0xF7A, s2;
	p2 =	seq.s32 @!p0 s5, $0x0  }
0x1f: {  	s9 =	smul.u32 $0xF7A, s1;
	s8 =	simm.s32 @!p0 $0x1BF5;
	p2 =	por !p2, p0  }
0x20: {  	[sflag:s8] =	ssyncset.s32 @!p0 $0xFFFFF086;
	s6 =	sadd.s32 @!p0 s3, s7;
	s7 =	simm.s32 @!p0 $0x108  }
0x21: {  	s3 =	sadd.s32 s3, s9;
	s6 =	sadd.s32 @!p0 $0x88, s6;
	s7 =	simm.s32 @p2 $0x1082  }
0x22: {  	[simem:s7], [sflag:s8] =	dma.local @!p0 [hbm:s6], $0xF7A  }
0x23: {  	s9 =	sor.u32 $0xD0000000, s2;
	s6 =	simm.s32 $0x108;
	_ =	swait.ge @!p0 [sflag:s8], $0x0  }
0x24: {  	s3 =	sadd.s32 $0x88, s3;
	s6 =	simm.s32 @!p1 $0x1082;
	[sflag:s4] =	ssyncset.s32 $0xFFFFF086  }
0x25: {  	[simem:s6], [sflag:s4] =	dma.local [hbm:s3], $0xF7A  }
0x26: {  	[smem:$0x3F9F] =	sst s1;
	(tag) =	ssettag s2;
	_ =	strace s9  }
0x27: {  	s1 =	sld [smem:$0x3FAF]  }
0x28: {  	s2 =	sld [smem:$0x3FB0]  }
0x29: {  	s4 =	sld [smem:$0x3FB2]  }
0x2a: {  	p0 =	seq.s32 s5, $0x0;
	s5 =	sld [smem:$0x3FB3]  }
0x2b: {  	s6 =	sld [smem:$0x3FB4]  }
0x2c: {  	s7 =	sld [smem:$0x3FB5]  }
0x2d: {  	s3 =	simm.s32 $0x108;
	s8 =	sld [smem:$0x3FB6]  }
0x2e: {  	s3 =	simm.s32 @!p0 $0x1082;
	s9 =	sld [smem:$0x3FB7]  }
0x2f: {  	lr =	sadd.s32 s0, s3;
	s0 =	sld [smem:$0x3FAE]  }
0x30: {  	s3 =	sld [smem:$0x3FB1]  }
0x31: {  	[smem:$0x3FBA] =	sst s10  }
0x32: {  	s10 =	sld [smem:$0x3FB8];
	_ =	sdelay $0x3  }
0x33: {  	p0 =	seq.s32 s10, $0x1;
	s10 =	sld [smem:$0x3FBA];
	_ =	sdelay $0x3  }
0x34: {  	[smem:$0x3FBA] =	sst s10  }
0x35: {  	s10 =	sld [smem:$0x3FB9];
	_ =	sdelay $0x3  }
0x36: {  	p1 =	seq.s32 s10, $0x1;
	s10 =	sld [smem:$0x3FBA];
	_ =	sdelay $0x3  }
0x37: {  	[smem:$0x3FBA] =	sst s10  }
0x38: {  	s10 =	sld [smem:$0x3FBB]  }
0x39: {  	_ = 	snop;
	(pc) =	sbr.ind lr, $3  }
0x3a: {  	_ = 	snop  }
0x3b: {  	_ = 	snop  }
0x3c: {  	p2 =	seq.s32 s10, $0x1;
	s10 =	sld [smem:$0x3FBA]  }
0x3d: {  	_ =	shalt  }
0x3e: {  	_ =	shalt  }
0x3f: {  	_ =	shalt  }
0x40: {  	_ =	shalt  }
0x41: {  	_ =	shalt  }
0x42: {  	_ =	shalt  }
0x43: {  	_ =	shalt  }
0x44: {  	_ =	shalt  }
0x45: {  	_ =	shalt  }
0x46: {  	_ =	shalt  }
0x47: {  	_ =	shalt  }
0x48: {  	_ =	shalt  }
0x49: {  	_ =	shalt  }
0x4a: {  	_ =	shalt  }
0x4b: {  	_ =	shalt  }
0x4c: {  	_ =	shalt  }
0x4d: {  	_ =	shalt  }
0x4e: {  	_ =	shalt  }
0x4f: {  	_ =	shalt  }
0x50: {  	_ =	shalt  }
0x51: {  	_ =	shalt  }
0x52: {  	_ =	shalt  }
0x53: {  	_ =	shalt  }
0x54: {  	_ =	shalt  }
0x55: {  	_ =	shalt  }
0x56: {  	_ =	shalt  }
0x57: {  	_ =	shalt  }
0x58: {  	_ =	shalt  }
0x59: {  	_ =	shalt  }
0x5a: {  	_ =	shalt  }
0x5b: {  	_ =	shalt  }
0x5c: {  	_ =	shalt  }
0x5d: {  	_ =	shalt  }
0x5e: {  	_ =	shalt  }
0x5f: {  	_ =	shalt  }
0x60: {  	_ =	shalt  }
0x61: {  	_ =	shalt  }
0x62: {  	_ =	shalt  }
0x63: {  	_ =	shalt  }
0x64: {  	_ =	shalt  }
0x65: {  	_ =	shalt  }
0x66: {  	_ =	shalt  }
0x67: {  	_ =	shalt  }
0x68: {  	_ =	shalt  }
0x69: {  	_ =	shalt  }
0x6a: {  	_ =	shalt  }
0x6b: {  	_ =	shalt  }
0x6c: {  	_ =	shalt  }
0x6d: {  	_ =	shalt  }
0x6e: {  	_ =	shalt  }
0x6f: {  	_ =	shalt  }
0x70: {  	_ =	shalt  }
0x71: {  	_ =	shalt  }
0x72: {  	_ =	shalt  }
0x73: {  	_ =	shalt  }
0x74: {  	_ =	shalt  }
0x75: {  	_ =	shalt  }
0x76: {  	_ =	shalt  }
0x77: {  	_ =	shalt  }
0x78: {  	_ =	shalt  }
0x79: {  	_ =	shalt  }
0x7a: {  	_ =	shalt  }
0x7b: {  	_ =	shalt  }
0x7c: {  	_ =	shalt  }
0x7d: {  	_ =	shalt  }
0x7e: {  	_ =	shalt  }
0x7f: {  	_ =	shalt  }
0x80: {  	_ =	shalt  }
0x81: {  	_ =	shalt  }
0x82: {  	_ =	shalt  }
0x83: {  	_ =	shalt  }
0x84: {  	_ =	shalt  }
0x85: {  	_ =	shalt  }
0x86: {  	_ =	shalt  }
0x87: {  	_ =	shalt  }
.Lfunc_end0:
.L_simem_size_0:
called_computation_lowered:
.L_overlay_start_0:
0x88: {  	s2 =	sld [smem:$0x3FD9]  }
0x89: {  	s3 =	sld [smem:$0x3FFE];
	_ =	sdelay $0x1  }
0x8a: {  	s1 =	srdreg.scid  }
0x8b: {  	s0 =	sand.u32 $0x1, s1  }
0x8c: {  	s16 =	sshll.u32 s0, $0xA;
	s2 =	sadd.s32 s3, s2  }
0x8d: {  	s2 =	sadd.s32 s2, s16  }
0x8e: {  	[smem:$0x3FC6] =	sst s2  }
0x8f: {  	_ = 	snop  }
0x90: {  	(tm) =	ssettm $0x1  }
0x91: {  	s17 =	sld [smem:$0x3FFB];
	_ =	sdelay $0x3  }
0x92: {  	_ =	strace s17  }
0x93: {  	s2 =	sld [smem:$0x3FFC];
	_ =	sdelay $0x3  }
0x94: {  	_ =	strace s2  }
0x95: {  	s2 =	sld [smem:$0x3FFD];
	_ =	sdelay $0x3  }
0x96: {  	_ =	strace s2  }
0x97: {  	_ =	strace $0x8FFFFFFF  }
0x98: {  	s18 =	sld [smem:$0x3FDB];
	_ =	sdelay $0x1  }
0x99: {  	s19 =	simm.s32 $_scs_section_size  }
0x9a: {  	s4 =	simm.s32 $_size__tile_overlayer_lowered;
	s5 =	simm.s32 $_tile_overlayer_lowered  }
0x9b: {  	s22 =	simm.s32 $0x1BFF;
	s21 =	sshll.u32 s5, $0x1;
	s2 =	sadd.s32 s19, s18  }
0x9c: {  	s6 =	simm.s32 $0x0;
	s20 =	sshll.u32 s4, $0x1;
	s4 =	sadd.s32 s21, s2  }
0x9d: {  	[timem:s6], [sflag:s22] =	dma.local [hbm:s4], s20  }
0x9e: {  	_ =	swait.ge [sflag:s22], s20  }
0x9f: {  	s3 =	ssub.s32 $0x0, s20;
	[sflag:s22] =	ssyncset.done $0x0  }
0xa0: {  	[sflag:s22] =	ssyncadd.s32 s3;
	_ =	sdelay $0x1  }
0xa1: {  	s23 =	simm.s32 $0x1B8B  }
0xa2: {  	_ =	swait.ge [sflag:s23], $0x1  }
0xa3: {  	[sflag:s23] =	ssyncset.done $0x0  }
0xa4: {  	s25 =	simm.s32 $0x1B8E;
	s24 =	sld [smem:$0x3FFE];
	[sflag:s23] =	ssyncadd.s32 $0xFFFFFFFF  }
0xa5: {  	s26 =	simm.s32 $execute0_lowered;
	[smem:$0x3FD2] =	sst s25  }
0xa6: {  	s4 =	sshll.u32 s26, $0x1;
	_ =	strace $0x80000046;
	[dreg:$0x1] =	wrdreg $0xFFFFFFFF  }
0xa7: {  	s28 =	simm.s32 $_size_execute0_lowered;
	s2 =	sadd.s32 s2, s4;
	[dreg:$0x0] =	wrdreg $0x0  }
0xa8: {  	s4 =	sshll.u32 s28, $0x1;
	[dreg:$0x2] =	wrdreg s2  }
0xa9: {  	[dreg:$0x3] =	wrdreg s4  }
0xaa: {  	[dreg:$0x4] =	wrdreg $0xC0  }
0xab: {  	_ =	task [dreg:s6], $0x5FFFF  }
0xac: {  	[dreg:$0x1] =	wrdreg $0xFFFFFFFF  }
0xad: {  	[dreg:$0x0] =	wrdreg $0x60  }
0xae: {  	[dreg:$0x2] =	wrdreg s24  }
0xaf: {  	[dreg:$0x3] =	wrdreg $0x9  }
0xb0: {  	_ =	task.clear_ibuf [dreg:s6], $0x4FFFF;
	_ =	strace $0x90000046  }
0xb1: {  	s29 =	simm.s32 $0x9;
	_ =	strace $0x80000048  }
0xb2: {  	_ =	swait.ge [sflag:s29], $0x1  }
0xb3: {  	[sflag:s29] =	ssyncadd.s32 $0xFFFFFFFF  }
0xb4: {  	_ =	strace $0x90000048  }
0xb5: {  	_ =	sfence  }
0xb6: {  	s30 =	sld [smem:$0x0];
	_ =	sdelay $0x2  }
0xb7: {  	s31 =	sshll.u32 s1, $0xD;
	s1 =	sshrl.u32 s1, $0x2  }
0xb8: {  	s3 =	sand.u32 $0x4000, s31;
	s1 =	sadd.s32 s1, s30  }
0xb9: {  	s0 =	sor.u32 s3, s0;
	s1 =	sshll.u32 s1, $0x11  }
0xba: {  	s0 =	sor.u32 s1, s0  }
0xbb: {  	s0 =	sadd.s32 $0x8F2B, s0  }
0xbc: {  	[sflag:s0] =	ssyncadd.remote.s32 $0x1  }
0xbd: {  	_ =	sfence.sel $0xFFFF  }
0xbe: {  	[dreg:$0x0] =	wrdreg $0xFFFFFFFF;
	(pc) =	sbr.abs _section_cstart, $3  }
0xbf: {  	[dreg:$0x1] =	wrdreg $0xFFFFFFFF  }
0xc0: {  	_ =	task.clear_ibuf [dreg:s6], $0x2FFFF;
	_ =	strace $0x9FFFFFFF  }
0xc1: {  	(tm) =	ssettm $0x7FFFFFFF  }
tec
execute0_lowered:
.L_overlay_start_1:
0x0: {  	(tag) =	ssettag $0x1  }
0x1: {  	s1 =	srdreg.scid  }
0x2: {  	s0 =	stileid.u32;
	s4 =	rddreg [dreg:$0x0];
	s3 =	sand.u32 $0x1, s1  }
0x3: {  	s8 =	simm.s32 $0x80;
	s30 =	sshll.u32 s0, $0x8;
	s2 =	sshll.u32 s3, $0x7  }
0x4: {  	s31 =	sshll.u32 s0, $0xB;
	s1 =	rddreg [dreg:$0x1];
	s5 =	sor.u32 s2, s30  }
0x5: {  	s3 =	ssub.s32 $0x2, s3;
	s2 =	simm.s32 $0x0;
	s6 =	sor.u32 s31, s5  }
0x6: {  	s7 =	sshrl.u32 s3, $0x1;
	[smem:$0x7FF] =	sst s2;
	s6 =	sand.u32 $0x6380, s6  }
0x7: {  	s7 =	ssub.s32 s3, s7;
	s3 =	sadd.s32 s4, s5;
	s6 =	sshrl.u32 s6, $0x3  }
0x8: {  	_ =	strace $0x80000047;
	s5 =	smax.u32 s7, $0x1;
	s6 =	sadd.s32 s6, s4  }
0x9: {  	v0 =	vimm.f32 $0.0e+00;
	v1 =	vimm.f32 $1.000000000e+00;
	s7 =	simm.s32 $0x400;
	s4 =	sadd.s32 $0x1000, s6;
	s6 =	simm.s32 $0x1  }
.LBB2_1:
0xa: {  	[tilespmem:s2], [sflag:$0x1] =	stream.linear.gather [hbm4b:s3+s2], $0x400, $0x38;
	[tilespmem:$0x800] =	vst v63  }
0xb: {  	_ =	swait.ge [sflag:s6], $0x400  }
0xc: {  	[sflag:s6] =	ssyncset.done $0x0  }
0xd: {  	[sflag:s6] =	ssyncadd.s32 $0xFFFFFC00  }
0xe: {  	[tilespmem:$0x400] =	vst v0  }
0xf: {  	[tilespmem:$0x410] =	vst v0  }
0x10: {  	[tilespmem:$0x420] =	vst v0  }
0x11: {  	[tilespmem:$0x430] =	vst v0  }
0x12: {  	[tilespmem:$0x440] =	vst v0  }
0x13: {  	[tilespmem:$0x450] =	vst v0  }
0x14: {  	[tilespmem:$0x460] =	vst v0  }
0x15: {  	[tilespmem:$0x470] =	vst v0  }
0x16: {  	[tilespmem:$0x480] =	vst v0  }
0x17: {  	[tilespmem:$0x490] =	vst v0  }
0x18: {  	[tilespmem:$0x4A0] =	vst v0  }
0x19: {  	[tilespmem:$0x4B0] =	vst v0  }
0x1a: {  	[tilespmem:$0x4C0] =	vst v0  }
0x1b: {  	[tilespmem:$0x4D0] =	vst v0  }
0x1c: {  	[tilespmem:$0x4E0] =	vst v0  }
0x1d: {  	[tilespmem:$0x4F0] =	vst v0  }
0x1e: {  	[tilespmem:$0x500] =	vst v0  }
0x1f: {  	[tilespmem:$0x510] =	vst v0  }
0x20: {  	[tilespmem:$0x520] =	vst v0  }
0x21: {  	[tilespmem:$0x530] =	vst v0  }
0x22: {  	[tilespmem:$0x540] =	vst v0  }
0x23: {  	[tilespmem:$0x550] =	vst v0  }
0x24: {  	[tilespmem:$0x560] =	vst v0  }
0x25: {  	[tilespmem:$0x570] =	vst v0  }
0x26: {  	[tilespmem:$0x580] =	vst v0  }
0x27: {  	[tilespmem:$0x590] =	vst v0  }
0x28: {  	[tilespmem:$0x5A0] =	vst v0  }
0x29: {  	[tilespmem:$0x5B0] =	vst v0  }
0x2a: {  	[tilespmem:$0x5C0] =	vst v0  }
0x2b: {  	[tilespmem:$0x5D0] =	vst v0  }
0x2c: {  	[tilespmem:$0x5E0] =	vst v0  }
0x2d: {  	[tilespmem:$0x5F0] =	vst v0  }
0x2e: {  	[tilespmem:$0x600] =	vst v0  }
0x2f: {  	[tilespmem:$0x610] =	vst v0  }
0x30: {  	[tilespmem:$0x620] =	vst v0  }
0x31: {  	[tilespmem:$0x630] =	vst v0  }
0x32: {  	[tilespmem:$0x640] =	vst v0  }
0x33: {  	[tilespmem:$0x650] =	vst v0  }
0x34: {  	[tilespmem:$0x660] =	vst v0  }
0x35: {  	[tilespmem:$0x670] =	vst v0  }
0x36: {  	[tilespmem:$0x680] =	vst v0  }
0x37: {  	[tilespmem:$0x690] =	vst v0  }
0x38: {  	[tilespmem:$0x6A0] =	vst v0  }
0x39: {  	[tilespmem:$0x6B0] =	vst v0  }
0x3a: {  	[tilespmem:$0x6C0] =	vst v0  }
0x3b: {  	[tilespmem:$0x6D0] =	vst v0  }
0x3c: {  	[tilespmem:$0x6E0] =	vst v0  }
0x3d: {  	[tilespmem:$0x6F0] =	vst v0  }
0x3e: {  	[tilespmem:$0x700] =	vst v0  }
0x3f: {  	[tilespmem:$0x710] =	vst v0  }
0x40: {  	[tilespmem:$0x720] =	vst v0  }
0x41: {  	[tilespmem:$0x730] =	vst v0  }
0x42: {  	[tilespmem:$0x740] =	vst v0  }
0x43: {  	[tilespmem:$0x750] =	vst v0  }
0x44: {  	[tilespmem:$0x760] =	vst v0  }
0x45: {  	[tilespmem:$0x770] =	vst v0  }
0x46: {  	[tilespmem:$0x780] =	vst v0;
	v2 =	vld [tilespmem:$0x0]  }
0x47: {  	[tilespmem:$0x790] =	vst v0  }
0x48: {  	[tilespmem:$0x7A0] =	vst v0  }
0x49: {  	[tilespmem:$0x7B0] =	vst v0  }
0x4a: {  	[tilespmem:$0x7C0] =	vst v0  }
0x4b: {  	[tilespmem:$0x7D0] =	vst v0  }
0x4c: {  	[tilespmem:$0x7E0] =	vst v0  }
0x4d: {  	[tilespmem:$0x7F0] =	vst v0  }
0x4e: {  	[tilespmem:v2+s7+$0x0] =	vst.idx.msk $0xffff, v1  }
0x4f: {  	v2 =	vld [tilespmem:$0x10];
	_ =	sdelay $0x7  }
0x50: {  	[tilespmem:v2+s7+$0x0] =	vst.idx.msk $0xffff, v1  }
0x51: {  	v2 =	vld [tilespmem:$0x20];
	_ =	sdelay $0x7  }
0x52: {  	[tilespmem:v2+s7+$0x0] =	vst.idx.msk $0xffff, v1  }
0x53: {  	v2 =	vld [tilespmem:$0x30];
	_ =	sdelay $0x7  }
0x54: {  	[tilespmem:v2+s7+$0x0] =	vst.idx.msk $0xffff, v1  }
0x55: {  	v2 =	vld [tilespmem:$0x40];
	_ =	sdelay $0x7  }
0x56: {  	[tilespmem:v2+s7+$0x0] =	vst.idx.msk $0xffff, v1  }
0x57: {  	v2 =	vld [tilespmem:$0x50];
	_ =	sdelay $0x7  }
0x58: {  	[tilespmem:v2+s7+$0x0] =	vst.idx.msk $0xffff, v1  }
0x59: {  	v2 =	vld [tilespmem:$0x60];
	_ =	sdelay $0x7  }
0x5a: {  	[tilespmem:v2+s7+$0x0] =	vst.idx.msk $0xffff, v1  }
0x5b: {  	v2 =	vld [tilespmem:$0x70];
	_ =	sdelay $0x7  }
0x5c: {  	[tilespmem:v2+s7+$0x0] =	vst.idx.msk $0xffff, v1  }
0x5d: {  	v2 =	vld [tilespmem:$0x80];
	_ =	sdelay $0x7  }
0x5e: {  	[tilespmem:v2+s7+$0x0] =	vst.idx.msk $0xffff, v1  }
0x5f: {  	v2 =	vld [tilespmem:$0x90];
	_ =	sdelay $0x7  }
0x60: {  	[tilespmem:v2+s7+$0x0] =	vst.idx.msk $0xffff, v1  }
0x61: {  	v2 =	vld [tilespmem:$0xA0];
	_ =	sdelay $0x7  }
0x62: {  	[tilespmem:v2+s7+$0x0] =	vst.idx.msk $0xffff, v1  }
0x63: {  	v2 =	vld [tilespmem:$0xB0];
	_ =	sdelay $0x7  }
0x64: {  	[tilespmem:v2+s7+$0x0] =	vst.idx.msk $0xffff, v1  }
0x65: {  	v2 =	vld [tilespmem:$0xC0];
	_ =	sdelay $0x7  }
0x66: {  	[tilespmem:v2+s7+$0x0] =	vst.idx.msk $0xffff, v1  }
0x67: {  	v2 =	vld [tilespmem:$0xD0];
	_ =	sdelay $0x7  }
0x68: {  	[tilespmem:v2+s7+$0x0] =	vst.idx.msk $0xffff, v1  }
0x69: {  	v2 =	vld [tilespmem:$0xE0];
	_ =	sdelay $0x7  }
0x6a: {  	[tilespmem:v2+s7+$0x0] =	vst.idx.msk $0xffff, v1  }
0x6b: {  	v2 =	vld [tilespmem:$0xF0];
	_ =	sdelay $0x7  }
0x6c: {  	[tilespmem:v2+s7+$0x0] =	vst.idx.msk $0xffff, v1  }
0x6d: {  	v2 =	vld [tilespmem:$0x100];
	_ =	sdelay $0x7  }
0x6e: {  	[tilespmem:v2+s7+$0x0] =	vst.idx.msk $0xffff, v1  }
0x6f: {  	v2 =	vld [tilespmem:$0x110];
	_ =	sdelay $0x7  }
0x70: {  	[tilespmem:v2+s7+$0x0] =	vst.idx.msk $0xffff, v1  }
0x71: {  	v2 =	vld [tilespmem:$0x120];
	_ =	sdelay $0x7  }
0x72: {  	[tilespmem:v2+s7+$0x0] =	vst.idx.msk $0xffff, v1  }
0x73: {  	v2 =	vld [tilespmem:$0x130];
	_ =	sdelay $0x7  }
0x74: {  	[tilespmem:v2+s7+$0x0] =	vst.idx.msk $0xffff, v1  }
0x75: {  	v2 =	vld [tilespmem:$0x140];
	_ =	sdelay $0x7  }
0x76: {  	[tilespmem:v2+s7+$0x0] =	vst.idx.msk $0xffff, v1  }
0x77: {  	v2 =	vld [tilespmem:$0x150];
	_ =	sdelay $0x7  }
0x78: {  	[tilespmem:v2+s7+$0x0] =	vst.idx.msk $0xffff, v1  }
0x79: {  	v2 =	vld [tilespmem:$0x160];
	_ =	sdelay $0x7  }
0x7a: {  	[tilespmem:v2+s7+$0x0] =	vst.idx.msk $0xffff, v1  }
0x7b: {  	v2 =	vld [tilespmem:$0x170];
	_ =	sdelay $0x7  }
0x7c: {  	[tilespmem:v2+s7+$0x0] =	vst.idx.msk $0xffff, v1  }
0x7d: {  	v2 =	vld [tilespmem:$0x180];
	_ =	sdelay $0x7  }
0x7e: {  	[tilespmem:v2+s7+$0x0] =	vst.idx.msk $0xffff, v1  }
0x7f: {  	v2 =	vld [tilespmem:$0x190];
	_ =	sdelay $0x7  }
0x80: {  	[tilespmem:v2+s7+$0x0] =	vst.idx.msk $0xffff, v1  }
0x81: {  	v2 =	vld [tilespmem:$0x1A0];
	_ =	sdelay $0x7  }
0x82: {  	[tilespmem:v2+s7+$0x0] =	vst.idx.msk $0xffff, v1  }
0x83: {  	v2 =	vld [tilespmem:$0x1B0];
	_ =	sdelay $0x7  }
0x84: {  	[tilespmem:v2+s7+$0x0] =	vst.idx.msk $0xffff, v1  }
0x85: {  	v2 =	vld [tilespmem:$0x1C0];
	_ =	sdelay $0x7  }
0x86: {  	[tilespmem:v2+s7+$0x0] =	vst.idx.msk $0xffff, v1  }
0x87: {  	v2 =	vld [tilespmem:$0x1D0];
	_ =	sdelay $0x7  }
0x88: {  	[tilespmem:v2+s7+$0x0] =	vst.idx.msk $0xffff, v1  }
0x89: {  	v2 =	vld [tilespmem:$0x1E0];
	_ =	sdelay $0x7  }
0x8a: {  	[tilespmem:v2+s7+$0x0] =	vst.idx.msk $0xffff, v1  }
0x8b: {  	v2 =	vld [tilespmem:$0x1F0];
	_ =	sdelay $0x7  }
0x8c: {  	[tilespmem:v2+s7+$0x0] =	vst.idx.msk $0xffff, v1  }
0x8d: {  	v2 =	vld [tilespmem:$0x200];
	_ =	sdelay $0x7  }
0x8e: {  	[tilespmem:v2+s7+$0x0] =	vst.idx.msk $0xffff, v1  }
0x8f: {  	v2 =	vld [tilespmem:$0x210];
	_ =	sdelay $0x7  }
0x90: {  	[tilespmem:v2+s7+$0x0] =	vst.idx.msk $0xffff, v1  }
0x91: {  	v2 =	vld [tilespmem:$0x220];
	_ =	sdelay $0x7  }
0x92: {  	[tilespmem:v2+s7+$0x0] =	vst.idx.msk $0xffff, v1  }
0x93: {  	v2 =	vld [tilespmem:$0x230];
	_ =	sdelay $0x7  }
0x94: {  	[tilespmem:v2+s7+$0x0] =	vst.idx.msk $0xffff, v1  }
0x95: {  	v2 =	vld [tilespmem:$0x240];
	_ =	sdelay $0x7  }
0x96: {  	[tilespmem:v2+s7+$0x0] =	vst.idx.msk $0xffff, v1  }
0x97: {  	v2 =	vld [tilespmem:$0x250];
	_ =	sdelay $0x7  }
0x98: {  	[tilespmem:v2+s7+$0x0] =	vst.idx.msk $0xffff, v1  }
0x99: {  	v2 =	vld [tilespmem:$0x260];
	_ =	sdelay $0x7  }
0x9a: {  	[tilespmem:v2+s7+$0x0] =	vst.idx.msk $0xffff, v1  }
0x9b: {  	v2 =	vld [tilespmem:$0x270];
	_ =	sdelay $0x7  }
0x9c: {  	[tilespmem:v2+s7+$0x0] =	vst.idx.msk $0xffff, v1  }
0x9d: {  	v2 =	vld [tilespmem:$0x280];
	_ =	sdelay $0x7  }
0x9e: {  	[tilespmem:v2+s7+$0x0] =	vst.idx.msk $0xffff, v1  }
0x9f: {  	v2 =	vld [tilespmem:$0x290];
	_ =	sdelay $0x7  }
0xa0: {  	[tilespmem:v2+s7+$0x0] =	vst.idx.msk $0xffff, v1  }
0xa1: {  	v2 =	vld [tilespmem:$0x2A0];
	_ =	sdelay $0x7  }
0xa2: {  	[tilespmem:v2+s7+$0x0] =	vst.idx.msk $0xffff, v1  }
0xa3: {  	v2 =	vld [tilespmem:$0x2B0];
	_ =	sdelay $0x7  }
0xa4: {  	[tilespmem:v2+s7+$0x0] =	vst.idx.msk $0xffff, v1  }
0xa5: {  	v2 =	vld [tilespmem:$0x2C0];
	_ =	sdelay $0x7  }
0xa6: {  	[tilespmem:v2+s7+$0x0] =	vst.idx.msk $0xffff, v1  }
0xa7: {  	v2 =	vld [tilespmem:$0x2D0];
	_ =	sdelay $0x7  }
0xa8: {  	[tilespmem:v2+s7+$0x0] =	vst.idx.msk $0xffff, v1  }
0xa9: {  	v2 =	vld [tilespmem:$0x2E0];
	_ =	sdelay $0x7  }
0xaa: {  	[tilespmem:v2+s7+$0x0] =	vst.idx.msk $0xffff, v1  }
0xab: {  	v2 =	vld [tilespmem:$0x2F0];
	_ =	sdelay $0x7  }
0xac: {  	[tilespmem:v2+s7+$0x0] =	vst.idx.msk $0xffff, v1  }
0xad: {  	v2 =	vld [tilespmem:$0x300];
	_ =	sdelay $0x7  }
0xae: {  	[tilespmem:v2+s7+$0x0] =	vst.idx.msk $0xffff, v1  }
0xaf: {  	v2 =	vld [tilespmem:$0x310];
	_ =	sdelay $0x7  }
0xb0: {  	[tilespmem:v2+s7+$0x0] =	vst.idx.msk $0xffff, v1  }
0xb1: {  	v2 =	vld [tilespmem:$0x320];
	_ =	sdelay $0x7  }
0xb2: {  	[tilespmem:v2+s7+$0x0] =	vst.idx.msk $0xffff, v1  }
0xb3: {  	v2 =	vld [tilespmem:$0x330];
	_ =	sdelay $0x7  }
0xb4: {  	[tilespmem:v2+s7+$0x0] =	vst.idx.msk $0xffff, v1  }
0xb5: {  	v2 =	vld [tilespmem:$0x340];
	_ =	sdelay $0x7  }
0xb6: {  	[tilespmem:v2+s7+$0x0] =	vst.idx.msk $0xffff, v1  }
0xb7: {  	v2 =	vld [tilespmem:$0x350];
	_ =	sdelay $0x7  }
0xb8: {  	[tilespmem:v2+s7+$0x0] =	vst.idx.msk $0xffff, v1  }
0xb9: {  	v2 =	vld [tilespmem:$0x360];
	_ =	sdelay $0x7  }
0xba: {  	[tilespmem:v2+s7+$0x0] =	vst.idx.msk $0xffff, v1  }
0xbb: {  	v2 =	vld [tilespmem:$0x370];
	_ =	sdelay $0x7  }
0xbc: {  	[tilespmem:v2+s7+$0x0] =	vst.idx.msk $0xffff, v1  }
0xbd: {  	v2 =	vld [tilespmem:$0x380];
	_ =	sdelay $0x7  }
0xbe: {  	[tilespmem:v2+s7+$0x0] =	vst.idx.msk $0xffff, v1  }
0xbf: {  	v2 =	vld [tilespmem:$0x390];
	_ =	sdelay $0x7  }
0xc0: {  	[tilespmem:v2+s7+$0x0] =	vst.idx.msk $0xffff, v1  }
0xc1: {  	v2 =	vld [tilespmem:$0x3A0];
	_ =	sdelay $0x7  }
0xc2: {  	[tilespmem:v2+s7+$0x0] =	vst.idx.msk $0xffff, v1  }
0xc3: {  	v2 =	vld [tilespmem:$0x3B0];
	_ =	sdelay $0x7  }
0xc4: {  	[tilespmem:v2+s7+$0x0] =	vst.idx.msk $0xffff, v1  }
0xc5: {  	v2 =	vld [tilespmem:$0x3C0];
	_ =	sdelay $0x7  }
0xc6: {  	[tilespmem:v2+s7+$0x0] =	vst.idx.msk $0xffff, v1  }
0xc7: {  	v2 =	vld [tilespmem:$0x3D0];
	_ =	sdelay $0x7  }
0xc8: {  	[tilespmem:v2+s7+$0x0] =	vst.idx.msk $0xffff, v1  }
0xc9: {  	v2 =	vld [tilespmem:$0x3E0];
	_ =	sdelay $0x7  }
0xca: {  	[tilespmem:v2+s7+$0x0] =	vst.idx.msk $0xffff, v1  }
0xcb: {  	v2 =	vld [tilespmem:$0x3F0];
	_ =	sdelay $0x6  }
0xcc: {  	p0 =	sne.s32 s5, $0x1  }
.Ltmp0:
0xcd: {  	[tilespmem:v2+s7+$0x0] =	vst.idx.msk $0xffff, v1;
	(pc) =	sbr.rel @p0 .LBB2_1-.Ltmp0, $4  }
0xce: {  	[hbm4b:s4+s8] =	stream.strided.scatter [tilespmem:s7], [sflag:$0x1], $0x400, s7, s8, $0x38;
	[tilespmem:$0x800] =	vst v63  }
0xcf: {  	_ =	swait.ge [sflag:s6], $0x400  }
0xd0: {  	[sflag:s6] =	ssyncset.done $0x0  }
0xd1: {  	s5 =	sadd.s32 $0xFFFFFFFF, s5;
	[sflag:s6] =	ssyncadd.s32 $0xFFFFFC00  }
0xd2: {  	_ =	sfence.sel $0x180000  }
0xd3: {  	[bflag:$0x0] =	sbarrier.arrive $0xFFFF  }
0xd4: {  	p0 =	sne.s32 s0, $0x0;
	_ =	strace $0x90000047  }
0xd5: {  	s0 =	sadd.s32 @!p0 $0x100000, s1;
	[bflag:$0x2] =	sbarrier.arrive $0xFFFF  }
0xd6: {  	[sflag:s0] =	ssyncadd.tile.s32 @!p0 $0x1;
	_ =	shalt  }
.Lfunc_end2:
_tile_overlayer_lowered:
.L_overlay_start_2:
0xd7: {  	(tag) =	ssettag $0x2  }
0xd8: {  	s0 =	rddreg [dreg:$0x0];
	s2 =	stileid.u32  }
0xd9: {  	s1 =	rddreg [dreg:$0x1];
	p0 =	sne.s32 s2, $0x0  }
0xda: {  	s3 =	rddreg [dreg:$0x2];
	[bflag:$0x3] =	sbarrier.arrive $0xFFFF;
	s2 =	simm.s32 @!p0 $0x1C01  }
0xdb: {  	[timem:s3], [sflag:s2] =	dma.local @!p0 [hbm:s0], s1  }
0xdc: {  	s0 =	simm.s32 @!p0 $0x1  }
0xdd: {  	_ =	swait.ge @!p0 [sflag:s0], s1  }
0xde: {  	s1 =	ssub.s32 @!p0 $0x0, s1;
	[sflag:s0] =	ssyncset.done @!p0 $0x0  }
0xdf: {  	[sflag:s0] =	ssyncadd.s32 @!p0 s1  }
0xe0: {  	[bflag:$0x3] =	sbarrier.arrive $0xFFFF  }
0xe1: {  	_ =	shalt  }

</sc_bundles>
